<compile_context>
chip_gen: v7x
topology: tpu7x:2x2x1
jax: 0.10.2.dev20260603
libtpu: 0.0.44.dev20260713+nightly
codegen_flags: <defaults>
</compile_context>

<pallas_src>
import jax
import jax.numpy as jnp
from jax import lax
from jax.experimental import pallas as pl
from jax.experimental.pallas import tpu as pltpu
from jax.experimental.pallas import tpu_sc as plsc

_VOCAB = 1000
_B = 1024
_L = 50
_VP = 1024
_NC, _NS = 2, 16
_NW = _NC * _NS
_NSEG = _B // 16
_SPLIT = 29


def kernel(x, table):
    xt = jnp.transpose(x).reshape(_L * _B).astype(jnp.int32)
    tblT = jnp.pad(
        jnp.transpose(table), ((0, _VP - _VOCAB), (0, _VP - _VOCAB))
    ).reshape(_VP * _VP)

    mesh = plsc.VectorSubcoreMesh(core_axis_name="c", subcore_axis_name="s")

    @pl.kernel(
        out_type=jax.ShapeDtypeStruct((_L, _VOCAB, _B), table.dtype),
        mesh=mesh,
        compiler_params=pltpu.CompilerParams(
            use_tc_tiling_on_sc=True, needs_layout_passes=False),
        scratch_types=[
            pltpu.VMEM((32 * _VP,), jnp.float32),
            pltpu.VMEM((_L * _B,), jnp.int32),
            pltpu.VMEM((8, _B), jnp.float32),
            pltpu.VMEM((8, _B), jnp.float32),
            pltpu.SemaphoreType.DMA,
            pltpu.SemaphoreType.DMA,
        ],
    )
    def lookup_kernel(tbl_hbm, xt_hbm, q_hbm, tbl_v, idx_v, ob0, ob1, ws0, ws1):
        obufs = (ob0, ob1)
        wsems = (ws0, ws1)
        wid = lax.axis_index("s") * _NC + lax.axis_index("c")
        small = wid >= _SPLIT
        nvt = jnp.where(small, 3, 4)
        vt0 = jnp.where(small, 4 * _SPLIT + 3 * (wid - _SPLIT), 4 * wid)
        v0 = vt0 * 8

        pltpu.sync_copy(tbl_hbm.at[pl.ds(v0 * _VP, 32 * _VP)], tbl_v)
        pltpu.sync_copy(xt_hbm, idx_v)

        total = _L * nvt

        def compute(l, j, ob):
            rows = [tbl_v.at[pl.ds((j * 8 + vi) * _VP, _VP)] for vi in range(8)]

            @pl.loop(0, _NSEG, step=2)
            def _(s):
                for t in range(2):
                    idx16 = idx_v[pl.ds(l * _B + (s + t) * 16, 16)]
                    for vi in range(8):
                        vals = plsc.load_gather(rows[vi], [idx16])
                        ob[vi, pl.ds((s + t) * 16, 16)] = vals

        def write_desc(l, j, p):
            return pltpu.make_async_copy(
                obufs[p], q_hbm.at[l].at[pl.ds(v0 + j * 8, 8)], wsems[p])

        @pl.loop(0, total, step=2)
        def _(u):
            for p in range(2):
                uu = u + p
                l = lax.div(uu, nvt)
                j = uu - l * nvt

                @pl.when(uu >= 2)
                def _():
                    write_desc(l, j, p).wait()

                compute(l, j, obufs[p])
                write_desc(l, j, p).start()

        for p in range(2):
            lastu = total - 2 + p
            ll = lax.div(lastu, nvt)
            write_desc(ll, lastu - ll * nvt, p).wait()

    q = lookup_kernel(tblT, xt)
    return jnp.transpose(q, (2, 0, 1))

# --- scband reference (transcript-rebuilt; emitter-appended) ---
"""Pipeline reference for scband-bigram-model-80556406604004 (READ-ONLY COPY).

The authoritative reference and input builder live on the scoring server;
editing this copy changes nothing except your own understanding.
"""

import jax, jax.numpy as jnp
import numpy as np

VOCAB = 1000
B = 1024
L = 50

def setup_inputs(seed: int = 0) -> dict:
    key = jax.random.key(seed)
    k1, k2 = jax.random.split(key)
    x = jax.random.randint(k1, (B, L), 0, VOCAB, dtype=jnp.int64 if jax.config.jax_enable_x64 else jnp.int32)
    # embedding table: nn.Embedding(vocab_size, vocab_size) init ~ N(0,1)
    table = jax.random.normal(k2, (VOCAB, VOCAB), dtype=jnp.float32)
    return {"x": x, "table": table}

def reference(x, table):
    # BigramModel.forward: embedding lookup, output [B, L, vocab]
    return jnp.take(table, x, axis=0)

if __name__ == "__main__":
    import jax
    _d = setup_inputs()
    print(jax.jit(kernel)(*tuple(_d.values())))

</pallas_src>

<mosaic_0001>
#map = affine_map<(d0, d1) -> (0)>
#map1 = affine_map<(d0, d1) -> (0, 0, 0)>
module attributes {stable_mosaic.version = 14 : i64} {
  func.func @lookup_kernel(%arg0: i32, %arg1: i32, %arg2: memref<1048576xf32, #tpu.memory_space<hbm>>, %arg3: memref<51200xi32, #tpu.memory_space<hbm>>, %arg4: memref<50x1000x1024xf32, #tpu.memory_space<hbm>>, %arg5: memref<32768xf32, #tpu.memory_space<vmem>>, %arg6: memref<51200xi32, #tpu.memory_space<vmem>>, %arg7: memref<8x1024xf32, #tpu.memory_space<vmem>>, %arg8: memref<8x1024xf32, #tpu.memory_space<vmem>>, %arg9: memref<!tpu.dma_semaphore, #tpu.memory_space<semaphore_mem>>, %arg10: memref<!tpu.dma_semaphore, #tpu.memory_space<semaphore_mem>>) attributes {dimension_semantics = [#tpu.dimension_semantics<core_parallel>, #tpu.dimension_semantics<subcore_parallel>], iteration_bounds = array<i64: 2, 16>, scalar_prefetch = 0 : i64, scratch_operands = 6 : i64, tpu.core_type = #tpu.core_type<sc_vector_subcore>, window_params = [{transform_indices = #map}, {transform_indices = #map}, {transform_indices = #map1}]} {
    %mul3A = arith.constant 2 : i32
    %mul3A_0 = arith.muli %arg1, %mul3A : i32
    %add3A = arith.addi %mul3A_0, %arg0 : i32
    %ge3A = arith.constant 29 : i32
    %ge3A_1 = arith.cmpi sge, %add3A, %ge3A : i32
    %jit3A = arith.constant 3 : i32
    %jit3A_2 = arith.constant 4 : i32
    %select_n3A = arith.select %ge3A_1, %jit3A, %jit3A_2 : i32
    %sub3A = arith.constant 29 : i32
    %sub3A_3 = arith.subi %add3A, %sub3A : i32
    %mul3A_4 = arith.constant 3 : i32
    %mul3A_5 = arith.muli %mul3A_4, %sub3A_3 : i32
    %add3A_6 = arith.constant 116 : i32
    %add3A_7 = arith.addi %add3A_6, %mul3A_5 : i32
    %mul3A_8 = arith.constant 4 : i32
    %mul3A_9 = arith.muli %mul3A_8, %add3A : i32
    %select_n3A_10 = arith.select %ge3A_1, %add3A_7, %mul3A_9 : i32
    %mul3A_11 = arith.constant 8 : i32
    %mul3A_12 = arith.muli %select_n3A_10, %mul3A_11 : i32
    %mul3A_13 = arith.constant 1024 : i32
    %mul3A_14 = arith.muli %mul3A_12, %mul3A_13 : i32
    "tpu.region"() ({
      %run_scoped3A = tpu.sem_alloc : memref<!tpu.dma_semaphore, #tpu.memory_space<semaphore_mem>>
      %dma_start3A = tpu.memref_slice %arg2[%mul3A_14] : memref<1048576xf32, #tpu.memory_space<hbm>> -> memref<32768xf32, #tpu.memory_space<hbm>>
      %dma_start3A_77 = tpu.memref_slice %arg2[%mul3A_14] : memref<1048576xf32, #tpu.memory_space<hbm>> -> memref<32768xf32, #tpu.memory_space<hbm>>
      tpu.enqueue_dma source(%dma_start3A_77 : memref<32768xf32, #tpu.memory_space<hbm>>) target(%arg5 : memref<32768xf32, #tpu.memory_space<vmem>>) target_semaphore(%run_scoped3A : memref<!tpu.dma_semaphore, #tpu.memory_space<semaphore_mem>>)
      %dma_wait3A_78 = tpu.memref_slice %arg2[%mul3A_14] : memref<1048576xf32, #tpu.memory_space<hbm>> -> memref<32768xf32, #tpu.memory_space<hbm>>
      %dma_wait3A_79 = tpu.memref_slice %arg2[%mul3A_14] : memref<1048576xf32, #tpu.memory_space<hbm>> -> memref<32768xf32, #tpu.memory_space<hbm>>
      tpu.wait_dma2 semaphore(%run_scoped3A : memref<!tpu.dma_semaphore, #tpu.memory_space<semaphore_mem>>) src(%dma_wait3A_79 : memref<32768xf32, #tpu.memory_space<hbm>>) dst(%arg5 : memref<32768xf32, #tpu.memory_space<vmem>>)
      tpu.yield
    }) : () -> ()
    "tpu.region"() ({
      %run_scoped3A = tpu.sem_alloc : memref<!tpu.dma_semaphore, #tpu.memory_space<semaphore_mem>>
      tpu.enqueue_dma source(%arg3 : memref<51200xi32, #tpu.memory_space<hbm>>) target(%arg6 : memref<51200xi32, #tpu.memory_space<vmem>>) target_semaphore(%run_scoped3A : memref<!tpu.dma_semaphore, #tpu.memory_space<semaphore_mem>>)
      tpu.wait_dma2 semaphore(%run_scoped3A : memref<!tpu.dma_semaphore, #tpu.memory_space<semaphore_mem>>) src(%arg3 : memref<51200xi32, #tpu.memory_space<hbm>>) dst(%arg6 : memref<51200xi32, #tpu.memory_space<vmem>>)
      tpu.yield
    }) : () -> ()
    %mul3A_15 = arith.constant 50 : i32
    %mul3A_16 = arith.muli %mul3A_15, %select_n3A : i32
    %sub3A_17 = arith.constant 0 : i32
    %sub3A_18 = arith.subi %mul3A_16, %sub3A_17 : i32
    %sub3A_19 = arith.constant 2 : i32
    %sub3A_20 = arith.constant 1 : i32
    %sub3A_21 = arith.subi %sub3A_19, %sub3A_20 : i32
    %add3A_22 = arith.addi %sub3A_18, %sub3A_21 : i32
    %div3A = arith.constant 2 : i32
    %div3A_23 = arith.divsi %add3A_22, %div3A : i32
    %while3A = arith.constant 2 : i32
    %while3A_24 = arith.constant 0 : i32
    %while3A_25 = arith.constant 0 : i32
    %while3A_26 = arith.subi %div3A_23, %while3A_25 : i32
    %while3A_27 = arith.addi %while3A_25, %while3A_26 : i32
    %while3A_28 = arith.constant 1 : i32
    %while3A_29 = arith.divsi %while3A_26, %while3A_28 : i32
    %while3A_30 = arith.muli %while3A_29, %while3A_28 : i32
    %while3A_31 = arith.addi %while3A_25, %while3A_30 : i32
    %while3A_32 = arith.constant 1 : i32
    scf.for %while3A_77 = %while3A_25 to %while3A_31 step %while3A_32  : i32 {
      %mul3A_78 = arith.muli %while3A_77, %while3A : i32
      %add3A_79 = arith.addi %while3A_24, %mul3A_78 : i32
      %add3A_80 = arith.constant 0 : i32
      %add3A_81 = arith.addi %add3A_79, %add3A_80 : i32
      %div3A_82 = arith.divsi %add3A_81, %select_n3A : i32
      %mul3A_83 = arith.muli %div3A_82, %select_n3A : i32
      %sub3A_84 = arith.subi %add3A_81, %mul3A_83 : i32
      %ge3A_85 = arith.constant 2 : i32
      %ge3A_86 = arith.cmpi sge, %add3A_81, %ge3A_85 : i32
      %convert_element_type3A = arith.extui %ge3A_86 : i1 to i32
      %cond3A = arith.constant 0 : i32
      %cond3A_87 = arith.cmpi ne, %convert_element_type3A, %cond3A : i32
      scf.if %cond3A_87 {
        %mul3A_232 = arith.constant 8 : i32
        %mul3A_233 = arith.muli %sub3A_84, %mul3A_232 : i32
        %add3A_234 = arith.addi %mul3A_12, %mul3A_233 : i32
        %dma_wait3A_235 = arith.constant 0 : i32
        %dma_wait3A_236 = arith.constant 0 : i32
        %dma_wait3A_237 = tpu.memref_slice %arg4[%div3A_82, %dma_wait3A_235, %dma_wait3A_236] : memref<50x1000x1024xf32, #tpu.memory_space<hbm>> -> memref<1x1000x1024xf32, #tpu.memory_space<hbm>>
        %dma_wait3A_238 = tpu.memref_squeeze %dma_wait3A_237 : memref<1x1000x1024xf32, #tpu.memory_space<hbm>> -> memref<1000x1024xf32, #tpu.memory_space<hbm>>
        %dma_wait3A_239 = arith.constant 0 : i32
        %dma_wait3A_240 = tpu.memref_slice %dma_wait3A_238[%add3A_234, %dma_wait3A_239] : memref<1000x1024xf32, #tpu.memory_space<hbm>> -> memref<8x1024xf32, #tpu.memory_space<hbm>>
        %dma_wait3A_241 = arith.constant 0 : i32
        %dma_wait3A_242 = arith.constant 0 : i32
        %dma_wait3A_243 = tpu.memref_slice %arg4[%div3A_82, %dma_wait3A_241, %dma_wait3A_242] : memref<50x1000x1024xf32, #tpu.memory_space<hbm>> -> memref<1x1000x1024xf32, #tpu.memory_space<hbm>>
        %dma_wait3A_244 = tpu.memref_squeeze %dma_wait3A_243 : memref<1x1000x1024xf32, #tpu.memory_space<hbm>> -> memref<1000x1024xf32, #tpu.memory_space<hbm>>
        %dma_wait3A_245 = arith.constant 0 : i32
        %dma_wait3A_246 = tpu.memref_slice %dma_wait3A_244[%add3A_234, %dma_wait3A_245] : memref<1000x1024xf32, #tpu.memory_space<hbm>> -> memref<8x1024xf32, #tpu.memory_space<hbm>>
        tpu.wait_dma2 semaphore(%arg9 : memref<!tpu.dma_semaphore, #tpu.memory_space<semaphore_mem>>) src(%arg7 : memref<8x1024xf32, #tpu.memory_space<vmem>>) dst(%dma_wait3A_246 : memref<8x1024xf32, #tpu.memory_space<hbm>>)
      } else {
      }
      %mul3A_88 = arith.constant 8 : i32
      %mul3A_89 = arith.muli %sub3A_84, %mul3A_88 : i32
      %add3A_90 = arith.constant 0 : i32
      %add3A_91 = arith.addi %mul3A_89, %add3A_90 : i32
      %mul3A_92 = arith.constant 1024 : i32
      %mul3A_93 = arith.muli %add3A_91, %mul3A_92 : i32
      %mul3A_94 = arith.constant 8 : i32
      %mul3A_95 = arith.muli %sub3A_84, %mul3A_94 : i32
      %add3A_96 = arith.constant 1 : i32
      %add3A_97 = arith.addi %mul3A_95, %add3A_96 : i32
      %mul3A_98 = arith.constant 1024 : i32
      %mul3A_99 = arith.muli %add3A_97, %mul3A_98 : i32
      %mul3A_100 = arith.constant 8 : i32
      %mul3A_101 = arith.muli %sub3A_84, %mul3A_100 : i32
      %add3A_102 = arith.constant 2 : i32
      %add3A_103 = arith.addi %mul3A_101, %add3A_102 : i32
      %mul3A_104 = arith.constant 1024 : i32
      %mul3A_105 = arith.muli %add3A_103, %mul3A_104 : i32
      %mul3A_106 = arith.constant 8 : i32
      %mul3A_107 = arith.muli %sub3A_84, %mul3A_106 : i32
      %add3A_108 = arith.constant 3 : i32
      %add3A_109 = arith.addi %mul3A_107, %add3A_108 : i32
      %mul3A_110 = arith.constant 1024 : i32
      %mul3A_111 = arith.muli %add3A_109, %mul3A_110 : i32
      %mul3A_112 = arith.constant 8 : i32
      %mul3A_113 = arith.muli %sub3A_84, %mul3A_112 : i32
      %add3A_114 = arith.constant 4 : i32
      %add3A_115 = arith.addi %mul3A_113, %add3A_114 : i32
      %mul3A_116 = arith.constant 1024 : i32
      %mul3A_117 = arith.muli %add3A_115, %mul3A_116 : i32
      %mul3A_118 = arith.constant 8 : i32
      %mul3A_119 = arith.muli %sub3A_84, %mul3A_118 : i32
      %add3A_120 = arith.constant 5 : i32
      %add3A_121 = arith.addi %mul3A_119, %add3A_120 : i32
      %mul3A_122 = arith.constant 1024 : i32
      %mul3A_123 = arith.muli %add3A_121, %mul3A_122 : i32
      %mul3A_124 = arith.constant 8 : i32
      %mul3A_125 = arith.muli %sub3A_84, %mul3A_124 : i32
      %add3A_126 = arith.constant 6 : i32
      %add3A_127 = arith.addi %mul3A_125, %add3A_126 : i32
      %mul3A_128 = arith.constant 1024 : i32
      %mul3A_129 = arith.muli %add3A_127, %mul3A_128 : i32
      %mul3A_130 = arith.constant 8 : i32
      %mul3A_131 = arith.muli %sub3A_84, %mul3A_130 : i32
      %add3A_132 = arith.constant 7 : i32
      %add3A_133 = arith.addi %mul3A_131, %add3A_132 : i32
      %mul3A_134 = arith.constant 1024 : i32
      %mul3A_135 = arith.muli %add3A_133, %mul3A_134 : i32
      %scan3A = arith.constant 0 : i32
      %scan3A_136 = arith.constant 32 : i32
      %scan3A_137 = arith.addi %scan3A, %scan3A_136 : i32
      %scan3A_138 = arith.constant 1 : i32
      scf.for %scan3A_232 = %scan3A to %scan3A_137 step %scan3A_138  : i32 {
        %mul3A_233 = arith.constant 2 : i32
        %mul3A_234 = arith.muli %scan3A_232, %mul3A_233 : i32
        %add3A_235 = arith.constant 0 : i32
        %add3A_236 = arith.addi %add3A_235, %mul3A_234 : i32
        %mul3A_237 = arith.constant 1024 : i32
        %mul3A_238 = arith.muli %div3A_82, %mul3A_237 : i32
        %add3A_239 = arith.constant 0 : i32
        %add3A_240 = arith.addi %add3A_236, %add3A_239 : i32
        %mul3A_241 = arith.constant 16 : i32
        %mul3A_242 = arith.muli %add3A_240, %mul3A_241 : i32
        %add3A_243 = arith.addi %mul3A_238, %mul3A_242 : i32
        %get3A = arith.index_cast %add3A_243 : i32 to index
        %get3A_244 = tpu.vector_load %arg6[%get3A] {strides = array<i32>} : memref<51200xi32, #tpu.memory_space<vmem>>, vector<16xi32>,
        %gather3A = tpu.memref_slice %arg5[%mul3A_93] : memref<32768xf32, #tpu.memory_space<vmem>> -> memref<1024xf32, #tpu.memory_space<vmem>>
        %gather3A_245 = tpu.vector_load_idx %gather3A[%get3A_244] : memref<1024xf32, #tpu.memory_space<vmem>>[vector<16xi32>], vector<16xf32>,
        %add3A_246 = arith.constant 0 : i32
        %add3A_247 = arith.addi %add3A_236, %add3A_246 : i32
        %mul3A_248 = arith.constant 16 : i32
        %mul3A_249 = arith.muli %add3A_247, %mul3A_248 : i32
        %swap3A = arith.constant 0 : i32
        %swap3A_250 = arith.index_cast %swap3A : i32 to index
        %swap3A_251 = arith.index_cast %mul3A_249 : i32 to index
        %swap3A_252 = tpu.vector_load %arg7[%swap3A_250, %swap3A_251] {strides = array<i32>} : memref<8x1024xf32, #tpu.memory_space<vmem>>, vector<16xf32>,
        tpu.vector_store %arg7[%swap3A_250, %swap3A_251], %gather3A_245 {strides = array<i32>} : memref<8x1024xf32, #tpu.memory_space<vmem>>, vector<16xf32>,
        %gather3A_253 = tpu.memref_slice %arg5[%mul3A_99] : memref<32768xf32, #tpu.memory_space<vmem>> -> memref<1024xf32, #tpu.memory_space<vmem>>
        %gather3A_254 = tpu.vector_load_idx %gather3A_253[%get3A_244] : memref<1024xf32, #tpu.memory_space<vmem>>[vector<16xi32>], vector<16xf32>,
        %add3A_255 = arith.constant 0 : i32
        %add3A_256 = arith.addi %add3A_236, %add3A_255 : i32
        %mul3A_257 = arith.constant 16 : i32
        %mul3A_258 = arith.muli %add3A_256, %mul3A_257 : i32
        %swap3A_259 = arith.constant 1 : i32
        %swap3A_260 = arith.index_cast %swap3A_259 : i32 to index
        %swap3A_261 = arith.index_cast %mul3A_258 : i32 to index
        %swap3A_262 = tpu.vector_load %arg7[%swap3A_260, %swap3A_261] {strides = array<i32>} : memref<8x1024xf32, #tpu.memory_space<vmem>>, vector<16xf32>,
        tpu.vector_store %arg7[%swap3A_260, %swap3A_261], %gather3A_254 {strides = array<i32>} : memref<8x1024xf32, #tpu.memory_space<vmem>>, vector<16xf32>,
        %gather3A_263 = tpu.memref_slice %arg5[%mul3A_105] : memref<32768xf32, #tpu.memory_space<vmem>> -> memref<1024xf32, #tpu.memory_space<vmem>>
        %gather3A_264 = tpu.vector_load_idx %gather3A_263[%get3A_244] : memref<1024xf32, #tpu.memory_space<vmem>>[vector<16xi32>], vector<16xf32>,
        %add3A_265 = arith.constant 0 : i32
        %add3A_266 = arith.addi %add3A_236, %add3A_265 : i32
        %mul3A_267 = arith.constant 16 : i32
        %mul3A_268 = arith.muli %add3A_266, %mul3A_267 : i32
        %swap3A_269 = arith.constant 2 : i32
        %swap3A_270 = arith.index_cast %swap3A_269 : i32 to index
        %swap3A_271 = arith.index_cast %mul3A_268 : i32 to index
        %swap3A_272 = tpu.vector_load %arg7[%swap3A_270, %swap3A_271] {strides = array<i32>} : memref<8x1024xf32, #tpu.memory_space<vmem>>, vector<16xf32>,
        tpu.vector_store %arg7[%swap3A_270, %swap3A_271], %gather3A_264 {strides = array<i32>} : memref<8x1024xf32, #tpu.memory_space<vmem>>, vector<16xf32>,
        %gather3A_273 = tpu.memref_slice %arg5[%mul3A_111] : memref<32768xf32, #tpu.memory_space<vmem>> -> memref<1024xf32, #tpu.memory_space<vmem>>
        %gather3A_274 = tpu.vector_load_idx %gather3A_273[%get3A_244] : memref<1024xf32, #tpu.memory_space<vmem>>[vector<16xi32>], vector<16xf32>,
        %add3A_275 = arith.constant 0 : i32
        %add3A_276 = arith.addi %add3A_236, %add3A_275 : i32
        %mul3A_277 = arith.constant 16 : i32
        %mul3A_278 = arith.muli %add3A_276, %mul3A_277 : i32
        %swap3A_279 = arith.constant 3 : i32
        %swap3A_280 = arith.index_cast %swap3A_279 : i32 to index
        %swap3A_281 = arith.index_cast %mul3A_278 : i32 to index
        %swap3A_282 = tpu.vector_load %arg7[%swap3A_280, %swap3A_281] {strides = array<i32>} : memref<8x1024xf32, #tpu.memory_space<vmem>>, vector<16xf32>,
        tpu.vector_store %arg7[%swap3A_280, %swap3A_281], %gather3A_274 {strides = array<i32>} : memref<8x1024xf32, #tpu.memory_space<vmem>>, vector<16xf32>,
        %gather3A_283 = tpu.memref_slice %arg5[%mul3A_117] : memref<32768xf32, #tpu.memory_space<vmem>> -> memref<1024xf32, #tpu.memory_space<vmem>>
        %gather3A_284 = tpu.vector_load_idx %gather3A_283[%get3A_244] : memref<1024xf32, #tpu.memory_space<vmem>>[vector<16xi32>], vector<16xf32>,
        %add3A_285 = arith.constant 0 : i32
        %add3A_286 = arith.addi %add3A_236, %add3A_285 : i32
        %mul3A_287 = arith.constant 16 : i32
        %mul3A_288 = arith.muli %add3A_286, %mul3A_287 : i32
        %swap3A_289 = arith.constant 4 : i32
        %swap3A_290 = arith.index_cast %swap3A_289 : i32 to index
        %swap3A_291 = arith.index_cast %mul3A_288 : i32 to index
        %swap3A_292 = tpu.vector_load %arg7[%swap3A_290, %swap3A_291] {strides = array<i32>} : memref<8x1024xf32, #tpu.memory_space<vmem>>, vector<16xf32>,
        tpu.vector_store %arg7[%swap3A_290, %swap3A_291], %gather3A_284 {strides = array<i32>} : memref<8x1024xf32, #tpu.memory_space<vmem>>, vector<16xf32>,
        %gather3A_293 = tpu.memref_slice %arg5[%mul3A_123] : memref<32768xf32, #tpu.memory_space<vmem>> -> memref<1024xf32, #tpu.memory_space<vmem>>
        %gather3A_294 = tpu.vector_load_idx %gather3A_293[%get3A_244] : memref<1024xf32, #tpu.memory_space<vmem>>[vector<16xi32>], vector<16xf32>,
        %add3A_295 = arith.constant 0 : i32
        %add3A_296 = arith.addi %add3A_236, %add3A_295 : i32
        %mul3A_297 = arith.constant 16 : i32
        %mul3A_298 = arith.muli %add3A_296, %mul3A_297 : i32
        %swap3A_299 = arith.constant 5 : i32
        %swap3A_300 = arith.index_cast %swap3A_299 : i32 to index
        %swap3A_301 = arith.index_cast %mul3A_298 : i32 to index
        %swap3A_302 = tpu.vector_load %arg7[%swap3A_300, %swap3A_301] {strides = array<i32>} : memref<8x1024xf32, #tpu.memory_space<vmem>>, vector<16xf32>,
        tpu.vector_store %arg7[%swap3A_300, %swap3A_301], %gather3A_294 {strides = array<i32>} : memref<8x1024xf32, #tpu.memory_space<vmem>>, vector<16xf32>,
        %gather3A_303 = tpu.memref_slice %arg5[%mul3A_129] : memref<32768xf32, #tpu.memory_space<vmem>> -> memref<1024xf32, #tpu.memory_space<vmem>>
        %gather3A_304 = tpu.vector_load_idx %gather3A_303[%get3A_244] : memref<1024xf32, #tpu.memory_space<vmem>>[vector<16xi32>], vector<16xf32>,
        %add3A_305 = arith.constant 0 : i32
        %add3A_306 = arith.addi %add3A_236, %add3A_305 : i32
        %mul3A_307 = arith.constant 16 : i32
        %mul3A_308 = arith.muli %add3A_306, %mul3A_307 : i32
        %swap3A_309 = arith.constant 6 : i32
        %swap3A_310 = arith.index_cast %swap3A_309 : i32 to index
        %swap3A_311 = arith.index_cast %mul3A_308 : i32 to index
        %swap3A_312 = tpu.vector_load %arg7[%swap3A_310, %swap3A_311] {strides = array<i32>} : memref<8x1024xf32, #tpu.memory_space<vmem>>, vector<16xf32>,
        tpu.vector_store %arg7[%swap3A_310, %swap3A_311], %gather3A_304 {strides = array<i32>} : memref<8x1024xf32, #tpu.memory_space<vmem>>, vector<16xf32>,
        %gather3A_313 = tpu.memref_slice %arg5[%mul3A_135] : memref<32768xf32, #tpu.memory_space<vmem>> -> memref<1024xf32, #tpu.memory_space<vmem>>
        %gather3A_314 = tpu.vector_load_idx %gather3A_313[%get3A_244] : memref<1024xf32, #tpu.memory_space<vmem>>[vector<16xi32>], vector<16xf32>,
        %add3A_315 = arith.constant 0 : i32
        %add3A_316 = arith.addi %add3A_236, %add3A_315 : i32
        %mul3A_317 = arith.constant 16 : i32
        %mul3A_318 = arith.muli %add3A_316, %mul3A_317 : i32
        %swap3A_319 = arith.constant 7 : i32
        %swap3A_320 = arith.index_cast %swap3A_319 : i32 to index
        %swap3A_321 = arith.index_cast %mul3A_318 : i32 to index
        %swap3A_322 = tpu.vector_load %arg7[%swap3A_320, %swap3A_321] {strides = array<i32>} : memref<8x1024xf32, #tpu.memory_space<vmem>>, vector<16xf32>,
        tpu.vector_store %arg7[%swap3A_320, %swap3A_321], %gather3A_314 {strides = array<i32>} : memref<8x1024xf32, #tpu.memory_space<vmem>>, vector<16xf32>,
        %mul3A_323 = arith.constant 1024 : i32
        %mul3A_324 = arith.muli %div3A_82, %mul3A_323 : i32
        %add3A_325 = arith.constant 1 : i32
        %add3A_326 = arith.addi %add3A_236, %add3A_325 : i32
        %mul3A_327 = arith.constant 16 : i32
        %mul3A_328 = arith.muli %add3A_326, %mul3A_327 : i32
        %add3A_329 = arith.addi %mul3A_324, %mul3A_328 : i32
        %get3A_330 = arith.index_cast %add3A_329 : i32 to index
        %get3A_331 = tpu.vector_load %arg6[%get3A_330] {strides = array<i32>} : memref<51200xi32, #tpu.memory_space<vmem>>, vector<16xi32>,
        %gather3A_332 = tpu.memref_slice %arg5[%mul3A_93] : memref<32768xf32, #tpu.memory_space<vmem>> -> memref<1024xf32, #tpu.memory_space<vmem>>
        %gather3A_333 = tpu.vector_load_idx %gather3A_332[%get3A_331] : memref<1024xf32, #tpu.memory_space<vmem>>[vector<16xi32>], vector<16xf32>,
        %add3A_334 = arith.constant 1 : i32
        %add3A_335 = arith.addi %add3A_236, %add3A_334 : i32
        %mul3A_336 = arith.constant 16 : i32
        %mul3A_337 = arith.muli %add3A_335, %mul3A_336 : i32
        %swap3A_338 = arith.constant 0 : i32
        %swap3A_339 = arith.index_cast %swap3A_338 : i32 to index
        %swap3A_340 = arith.index_cast %mul3A_337 : i32 to index
        %swap3A_341 = tpu.vector_load %arg7[%swap3A_339, %swap3A_340] {strides = array<i32>} : memref<8x1024xf32, #tpu.memory_space<vmem>>, vector<16xf32>,
        tpu.vector_store %arg7[%swap3A_339, %swap3A_340], %gather3A_333 {strides = array<i32>} : memref<8x1024xf32, #tpu.memory_space<vmem>>, vector<16xf32>,
        %gather3A_342 = tpu.memref_slice %arg5[%mul3A_99] : memref<32768xf32, #tpu.memory_space<vmem>> -> memref<1024xf32, #tpu.memory_space<vmem>>
        %gather3A_343 = tpu.vector_load_idx %gather3A_342[%get3A_331] : memref<1024xf32, #tpu.memory_space<vmem>>[vector<16xi32>], vector<16xf32>,
        %add3A_344 = arith.constant 1 : i32
        %add3A_345 = arith.addi %add3A_236, %add3A_344 : i32
        %mul3A_346 = arith.constant 16 : i32
        %mul3A_347 = arith.muli %add3A_345, %mul3A_346 : i32
        %swap3A_348 = arith.constant 1 : i32
        %swap3A_349 = arith.index_cast %swap3A_348 : i32 to index
        %swap3A_350 = arith.index_cast %mul3A_347 : i32 to index
        %swap3A_351 = tpu.vector_load %arg7[%swap3A_349, %swap3A_350] {strides = array<i32>} : memref<8x1024xf32, #tpu.memory_space<vmem>>, vector<16xf32>,
        tpu.vector_store %arg7[%swap3A_349, %swap3A_350], %gather3A_343 {strides = array<i32>} : memref<8x1024xf32, #tpu.memory_space<vmem>>, vector<16xf32>,
        %gather3A_352 = tpu.memref_slice %arg5[%mul3A_105] : memref<32768xf32, #tpu.memory_space<vmem>> -> memref<1024xf32, #tpu.memory_space<vmem>>
        %gather3A_353 = tpu.vector_load_idx %gather3A_352[%get3A_331] : memref<1024xf32, #tpu.memory_space<vmem>>[vector<16xi32>], vector<16xf32>,
        %add3A_354 = arith.constant 1 : i32
        %add3A_355 = arith.addi %add3A_236, %add3A_354 : i32
        %mul3A_356 = arith.constant 16 : i32
        %mul3A_357 = arith.muli %add3A_355, %mul3A_356 : i32
        %swap3A_358 = arith.constant 2 : i32
        %swap3A_359 = arith.index_cast %swap3A_358 : i32 to index
        %swap3A_360 = arith.index_cast %mul3A_357 : i32 to index
        %swap3A_361 = tpu.vector_load %arg7[%swap3A_359, %swap3A_360] {strides = array<i32>} : memref<8x1024xf32, #tpu.memory_space<vmem>>, vector<16xf32>,
        tpu.vector_store %arg7[%swap3A_359, %swap3A_360], %gather3A_353 {strides = array<i32>} : memref<8x1024xf32, #tpu.memory_space<vmem>>, vector<16xf32>,
        %gather3A_362 = tpu.memref_slice %arg5[%mul3A_111] : memref<32768xf32, #tpu.memory_space<vmem>> -> memref<1024xf32, #tpu.memory_space<vmem>>
        %gather3A_363 = tpu.vector_load_idx %gather3A_362[%get3A_331] : memref<1024xf32, #tpu.memory_space<vmem>>[vector<16xi32>], vector<16xf32>,
        %add3A_364 = arith.constant 1 : i32
        %add3A_365 = arith.addi %add3A_236, %add3A_364 : i32
        %mul3A_366 = arith.constant 16 : i32
        %mul3A_367 = arith.muli %add3A_365, %mul3A_366 : i32
        %swap3A_368 = arith.constant 3 : i32
        %swap3A_369 = arith.index_cast %swap3A_368 : i32 to index
        %swap3A_370 = arith.index_cast %mul3A_367 : i32 to index
        %swap3A_371 = tpu.vector_load %arg7[%swap3A_369, %swap3A_370] {strides = array<i32>} : memref<8x1024xf32, #tpu.memory_space<vmem>>, vector<16xf32>,
        tpu.vector_store %arg7[%swap3A_369, %swap3A_370], %gather3A_363 {strides = array<i32>} : memref<8x1024xf32, #tpu.memory_space<vmem>>, vector<16xf32>,
        %gather3A_372 = tpu.memref_slice %arg5[%mul3A_117] : memref<32768xf32, #tpu.memory_space<vmem>> -> memref<1024xf32, #tpu.memory_space<vmem>>
        %gather3A_373 = tpu.vector_load_idx %gather3A_372[%get3A_331] : memref<1024xf32, #tpu.memory_space<vmem>>[vector<16xi32>], vector<16xf32>,
        %add3A_374 = arith.constant 1 : i32
        %add3A_375 = arith.addi %add3A_236, %add3A_374 : i32
        %mul3A_376 = arith.constant 16 : i32
        %mul3A_377 = arith.muli %add3A_375, %mul3A_376 : i32
        %swap3A_378 = arith.constant 4 : i32
        %swap3A_379 = arith.index_cast %swap3A_378 : i32 to index
        %swap3A_380 = arith.index_cast %mul3A_377 : i32 to index
        %swap3A_381 = tpu.vector_load %arg7[%swap3A_379, %swap3A_380] {strides = array<i32>} : memref<8x1024xf32, #tpu.memory_space<vmem>>, vector<16xf32>,
        tpu.vector_store %arg7[%swap3A_379, %swap3A_380], %gather3A_373 {strides = array<i32>} : memref<8x1024xf32, #tpu.memory_space<vmem>>, vector<16xf32>,
        %gather3A_382 = tpu.memref_slice %arg5[%mul3A_123] : memref<32768xf32, #tpu.memory_space<vmem>> -> memref<1024xf32, #tpu.memory_space<vmem>>
        %gather3A_383 = tpu.vector_load_idx %gather3A_382[%get3A_331] : memref<1024xf32, #tpu.memory_space<vmem>>[vector<16xi32>], vector<16xf32>,
        %add3A_384 = arith.constant 1 : i32
        %add3A_385 = arith.addi %add3A_236, %add3A_384 : i32
        %mul3A_386 = arith.constant 16 : i32
        %mul3A_387 = arith.muli %add3A_385, %mul3A_386 : i32
        %swap3A_388 = arith.constant 5 : i32
        %swap3A_389 = arith.index_cast %swap3A_388 : i32 to index
        %swap3A_390 = arith.index_cast %mul3A_387 : i32 to index
        %swap3A_391 = tpu.vector_load %arg7[%swap3A_389, %swap3A_390] {strides = array<i32>} : memref<8x1024xf32, #tpu.memory_space<vmem>>, vector<16xf32>,
        tpu.vector_store %arg7[%swap3A_389, %swap3A_390], %gather3A_383 {strides = array<i32>} : memref<8x1024xf32, #tpu.memory_space<vmem>>, vector<16xf32>,
        %gather3A_392 = tpu.memref_slice %arg5[%mul3A_129] : memref<32768xf32, #tpu.memory_space<vmem>> -> memref<1024xf32, #tpu.memory_space<vmem>>
        %gather3A_393 = tpu.vector_load_idx %gather3A_392[%get3A_331] : memref<1024xf32, #tpu.memory_space<vmem>>[vector<16xi32>], vector<16xf32>,
        %add3A_394 = arith.constant 1 : i32
        %add3A_395 = arith.addi %add3A_236, %add3A_394 : i32
        %mul3A_396 = arith.constant 16 : i32
        %mul3A_397 = arith.muli %add3A_395, %mul3A_396 : i32
        %swap3A_398 = arith.constant 6 : i32
        %swap3A_399 = arith.index_cast %swap3A_398 : i32 to index
        %swap3A_400 = arith.index_cast %mul3A_397 : i32 to index
        %swap3A_401 = tpu.vector_load %arg7[%swap3A_399, %swap3A_400] {strides = array<i32>} : memref<8x1024xf32, #tpu.memory_space<vmem>>, vector<16xf32>,
        tpu.vector_store %arg7[%swap3A_399, %swap3A_400], %gather3A_393 {strides = array<i32>} : memref<8x1024xf32, #tpu.memory_space<vmem>>, vector<16xf32>,
        %gather3A_402 = tpu.memref_slice %arg5[%mul3A_135] : memref<32768xf32, #tpu.memory_space<vmem>> -> memref<1024xf32, #tpu.memory_space<vmem>>
        %gather3A_403 = tpu.vector_load_idx %gather3A_402[%get3A_331] : memref<1024xf32, #tpu.memory_space<vmem>>[vector<16xi32>], vector<16xf32>,
        %add3A_404 = arith.constant 1 : i32
        %add3A_405 = arith.addi %add3A_236, %add3A_404 : i32
        %mul3A_406 = arith.constant 16 : i32
        %mul3A_407 = arith.muli %add3A_405, %mul3A_406 : i32
        %swap3A_408 = arith.constant 7 : i32
        %swap3A_409 = arith.index_cast %swap3A_408 : i32 to index
        %swap3A_410 = arith.index_cast %mul3A_407 : i32 to index
        %swap3A_411 = tpu.vector_load %arg7[%swap3A_409, %swap3A_410] {strides = array<i32>} : memref<8x1024xf32, #tpu.memory_space<vmem>>, vector<16xf32>,
        tpu.vector_store %arg7[%swap3A_409, %swap3A_410], %gather3A_403 {strides = array<i32>} : memref<8x1024xf32, #tpu.memory_space<vmem>>, vector<16xf32>,
      }
      %scan3A_139 = arith.constant 32 : i32
      %mul3A_140 = arith.constant 8 : i32
      %mul3A_141 = arith.muli %sub3A_84, %mul3A_140 : i32
      %add3A_142 = arith.addi %mul3A_12, %mul3A_141 : i32
      %dma_start3A = arith.constant 0 : i32
      %dma_start3A_143 = arith.constant 0 : i32
      %dma_start3A_144 = tpu.memref_slice %arg4[%div3A_82, %dma_start3A, %dma_start3A_143] : memref<50x1000x1024xf32, #tpu.memory_space<hbm>> -> memref<1x1000x1024xf32, #tpu.memory_space<hbm>>
      %dma_start3A_145 = tpu.memref_squeeze %dma_start3A_144 : memref<1x1000x1024xf32, #tpu.memory_space<hbm>> -> memref<1000x1024xf32, #tpu.memory_space<hbm>>
      %dma_start3A_146 = arith.constant 0 : i32
      %dma_start3A_147 = tpu.memref_slice %dma_start3A_145[%add3A_142, %dma_start3A_146] : memref<1000x1024xf32, #tpu.memory_space<hbm>> -> memref<8x1024xf32, #tpu.memory_space<hbm>>
      %dma_start3A_148 = arith.constant 0 : i32
      %dma_start3A_149 = arith.constant 0 : i32
      %dma_start3A_150 = tpu.memref_slice %arg4[%div3A_82, %dma_start3A_148, %dma_start3A_149] : memref<50x1000x1024xf32, #tpu.memory_space<hbm>> -> memref<1x1000x1024xf32, #tpu.memory_space<hbm>>
      %dma_start3A_151 = tpu.memref_squeeze %dma_start3A_150 : memref<1x1000x1024xf32, #tpu.memory_space<hbm>> -> memref<1000x1024xf32, #tpu.memory_space<hbm>>
      %dma_start3A_152 = arith.constant 0 : i32
      %dma_start3A_153 = tpu.memref_slice %dma_start3A_151[%add3A_142, %dma_start3A_152] : memref<1000x1024xf32, #tpu.memory_space<hbm>> -> memref<8x1024xf32, #tpu.memory_space<hbm>>
      tpu.enqueue_dma source(%arg7 : memref<8x1024xf32, #tpu.memory_space<vmem>>) target(%dma_start3A_153 : memref<8x1024xf32, #tpu.memory_space<hbm>>) target_semaphore(%arg9 : memref<!tpu.dma_semaphore, #tpu.memory_space<semaphore_mem>>)
      %add3A_154 = arith.constant 1 : i32
      %add3A_155 = arith.addi %add3A_79, %add3A_154 : i32
      %div3A_156 = arith.divsi %add3A_155, %select_n3A : i32
      %mul3A_157 = arith.muli %div3A_156, %select_n3A : i32
      %sub3A_158 = arith.subi %add3A_155, %mul3A_157 : i32
      %ge3A_159 = arith.constant 2 : i32
      %ge3A_160 = arith.cmpi sge, %add3A_155, %ge3A_159 : i32
      %convert_element_type3A_161 = arith.extui %ge3A_160 : i1 to i32
      %cond3A_162 = arith.constant 0 : i32
      %cond3A_163 = arith.cmpi ne, %convert_element_type3A_161, %cond3A_162 : i32
      scf.if %cond3A_163 {
        %mul3A_232 = arith.constant 8 : i32
        %mul3A_233 = arith.muli %sub3A_158, %mul3A_232 : i32
        %add3A_234 = arith.addi %mul3A_12, %mul3A_233 : i32
        %dma_wait3A_235 = arith.constant 0 : i32
        %dma_wait3A_236 = arith.constant 0 : i32
        %dma_wait3A_237 = tpu.memref_slice %arg4[%div3A_156, %dma_wait3A_235, %dma_wait3A_236] : memref<50x1000x1024xf32, #tpu.memory_space<hbm>> -> memref<1x1000x1024xf32, #tpu.memory_space<hbm>>
        %dma_wait3A_238 = tpu.memref_squeeze %dma_wait3A_237 : memref<1x1000x1024xf32, #tpu.memory_space<hbm>> -> memref<1000x1024xf32, #tpu.memory_space<hbm>>
        %dma_wait3A_239 = arith.constant 0 : i32
        %dma_wait3A_240 = tpu.memref_slice %dma_wait3A_238[%add3A_234, %dma_wait3A_239] : memref<1000x1024xf32, #tpu.memory_space<hbm>> -> memref<8x1024xf32, #tpu.memory_space<hbm>>
        %dma_wait3A_241 = arith.constant 0 : i32
        %dma_wait3A_242 = arith.constant 0 : i32
        %dma_wait3A_243 = tpu.memref_slice %arg4[%div3A_156, %dma_wait3A_241, %dma_wait3A_242] : memref<50x1000x1024xf32, #tpu.memory_space<hbm>> -> memref<1x1000x1024xf32, #tpu.memory_space<hbm>>
        %dma_wait3A_244 = tpu.memref_squeeze %dma_wait3A_243 : memref<1x1000x1024xf32, #tpu.memory_space<hbm>> -> memref<1000x1024xf32, #tpu.memory_space<hbm>>
        %dma_wait3A_245 = arith.constant 0 : i32
        %dma_wait3A_246 = tpu.memref_slice %dma_wait3A_244[%add3A_234, %dma_wait3A_245] : memref<1000x1024xf32, #tpu.memory_space<hbm>> -> memref<8x1024xf32, #tpu.memory_space<hbm>>
        tpu.wait_dma2 semaphore(%arg10 : memref<!tpu.dma_semaphore, #tpu.memory_space<semaphore_mem>>) src(%arg8 : memref<8x1024xf32, #tpu.memory_space<vmem>>) dst(%dma_wait3A_246 : memref<8x1024xf32, #tpu.memory_space<hbm>>)
      } else {
      }
      %mul3A_164 = arith.constant 8 : i32
      %mul3A_165 = arith.muli %sub3A_158, %mul3A_164 : i32
      %add3A_166 = arith.constant 0 : i32
      %add3A_167 = arith.addi %mul3A_165, %add3A_166 : i32
      %mul3A_168 = arith.constant 1024 : i32
      %mul3A_169 = arith.muli %add3A_167, %mul3A_168 : i32
      %mul3A_170 = arith.constant 8 : i32
      %mul3A_171 = arith.muli %sub3A_158, %mul3A_170 : i32
      %add3A_172 = arith.constant 1 : i32
      %add3A_173 = arith.addi %mul3A_171, %add3A_172 : i32
      %mul3A_174 = arith.constant 1024 : i32
      %mul3A_175 = arith.muli %add3A_173, %mul3A_174 : i32
      %mul3A_176 = arith.constant 8 : i32
      %mul3A_177 = arith.muli %sub3A_158, %mul3A_176 : i32
      %add3A_178 = arith.constant 2 : i32
      %add3A_179 = arith.addi %mul3A_177, %add3A_178 : i32
      %mul3A_180 = arith.constant 1024 : i32
      %mul3A_181 = arith.muli %add3A_179, %mul3A_180 : i32
      %mul3A_182 = arith.constant 8 : i32
      %mul3A_183 = arith.muli %sub3A_158, %mul3A_182 : i32
      %add3A_184 = arith.constant 3 : i32
      %add3A_185 = arith.addi %mul3A_183, %add3A_184 : i32
      %mul3A_186 = arith.constant 1024 : i32
      %mul3A_187 = arith.muli %add3A_185, %mul3A_186 : i32
      %mul3A_188 = arith.constant 8 : i32
      %mul3A_189 = arith.muli %sub3A_158, %mul3A_188 : i32
      %add3A_190 = arith.constant 4 : i32
      %add3A_191 = arith.addi %mul3A_189, %add3A_190 : i32
      %mul3A_192 = arith.constant 1024 : i32
      %mul3A_193 = arith.muli %add3A_191, %mul3A_192 : i32
      %mul3A_194 = arith.constant 8 : i32
      %mul3A_195 = arith.muli %sub3A_158, %mul3A_194 : i32
      %add3A_196 = arith.constant 5 : i32
      %add3A_197 = arith.addi %mul3A_195, %add3A_196 : i32
      %mul3A_198 = arith.constant 1024 : i32
      %mul3A_199 = arith.muli %add3A_197, %mul3A_198 : i32
      %mul3A_200 = arith.constant 8 : i32
      %mul3A_201 = arith.muli %sub3A_158, %mul3A_200 : i32
      %add3A_202 = arith.constant 6 : i32
      %add3A_203 = arith.addi %mul3A_201, %add3A_202 : i32
      %mul3A_204 = arith.constant 1024 : i32
      %mul3A_205 = arith.muli %add3A_203, %mul3A_204 : i32
      %mul3A_206 = arith.constant 8 : i32
      %mul3A_207 = arith.muli %sub3A_158, %mul3A_206 : i32
      %add3A_208 = arith.constant 7 : i32
      %add3A_209 = arith.addi %mul3A_207, %add3A_208 : i32
      %mul3A_210 = arith.constant 1024 : i32
      %mul3A_211 = arith.muli %add3A_209, %mul3A_210 : i32
      %scan3A_212 = arith.constant 0 : i32
      %scan3A_213 = arith.constant 32 : i32
      %scan3A_214 = arith.addi %scan3A_212, %scan3A_213 : i32
      %scan3A_215 = arith.constant 1 : i32
      scf.for %scan3A_232 = %scan3A_212 to %scan3A_214 step %scan3A_215  : i32 {
        %mul3A_233 = arith.constant 2 : i32
        %mul3A_234 = arith.muli %scan3A_232, %mul3A_233 : i32
        %add3A_235 = arith.constant 0 : i32
        %add3A_236 = arith.addi %add3A_235, %mul3A_234 : i32
        %mul3A_237 = arith.constant 1024 : i32
        %mul3A_238 = arith.muli %div3A_156, %mul3A_237 : i32
        %add3A_239 = arith.constant 0 : i32
        %add3A_240 = arith.addi %add3A_236, %add3A_239 : i32
        %mul3A_241 = arith.constant 16 : i32
        %mul3A_242 = arith.muli %add3A_240, %mul3A_241 : i32
        %add3A_243 = arith.addi %mul3A_238, %mul3A_242 : i32
        %get3A = arith.index_cast %add3A_243 : i32 to index
        %get3A_244 = tpu.vector_load %arg6[%get3A] {strides = array<i32>} : memref<51200xi32, #tpu.memory_space<vmem>>, vector<16xi32>,
        %gather3A = tpu.memref_slice %arg5[%mul3A_169] : memref<32768xf32, #tpu.memory_space<vmem>> -> memref<1024xf32, #tpu.memory_space<vmem>>
        %gather3A_245 = tpu.vector_load_idx %gather3A[%get3A_244] : memref<1024xf32, #tpu.memory_space<vmem>>[vector<16xi32>], vector<16xf32>,
        %add3A_246 = arith.constant 0 : i32
        %add3A_247 = arith.addi %add3A_236, %add3A_246 : i32
        %mul3A_248 = arith.constant 16 : i32
        %mul3A_249 = arith.muli %add3A_247, %mul3A_248 : i32
        %swap3A = arith.constant 0 : i32
        %swap3A_250 = arith.index_cast %swap3A : i32 to index
        %swap3A_251 = arith.index_cast %mul3A_249 : i32 to index
        %swap3A_252 = tpu.vector_load %arg8[%swap3A_250, %swap3A_251] {strides = array<i32>} : memref<8x1024xf32, #tpu.memory_space<vmem>>, vector<16xf32>,
        tpu.vector_store %arg8[%swap3A_250, %swap3A_251], %gather3A_245 {strides = array<i32>} : memref<8x1024xf32, #tpu.memory_space<vmem>>, vector<16xf32>,
        %gather3A_253 = tpu.memref_slice %arg5[%mul3A_175] : memref<32768xf32, #tpu.memory_space<vmem>> -> memref<1024xf32, #tpu.memory_space<vmem>>
        %gather3A_254 = tpu.vector_load_idx %gather3A_253[%get3A_244] : memref<1024xf32, #tpu.memory_space<vmem>>[vector<16xi32>], vector<16xf32>,
        %add3A_255 = arith.constant 0 : i32
        %add3A_256 = arith.addi %add3A_236, %add3A_255 : i32
        %mul3A_257 = arith.constant 16 : i32
        %mul3A_258 = arith.muli %add3A_256, %mul3A_257 : i32
        %swap3A_259 = arith.constant 1 : i32
        %swap3A_260 = arith.index_cast %swap3A_259 : i32 to index
        %swap3A_261 = arith.index_cast %mul3A_258 : i32 to index
        %swap3A_262 = tpu.vector_load %arg8[%swap3A_260, %swap3A_261] {strides = array<i32>} : memref<8x1024xf32, #tpu.memory_space<vmem>>, vector<16xf32>,
        tpu.vector_store %arg8[%swap3A_260, %swap3A_261], %gather3A_254 {strides = array<i32>} : memref<8x1024xf32, #tpu.memory_space<vmem>>, vector<16xf32>,
        %gather3A_263 = tpu.memref_slice %arg5[%mul3A_181] : memref<32768xf32, #tpu.memory_space<vmem>> -> memref<1024xf32, #tpu.memory_space<vmem>>
        %gather3A_264 = tpu.vector_load_idx %gather3A_263[%get3A_244] : memref<1024xf32, #tpu.memory_space<vmem>>[vector<16xi32>], vector<16xf32>,
        %add3A_265 = arith.constant 0 : i32
        %add3A_266 = arith.addi %add3A_236, %add3A_265 : i32
        %mul3A_267 = arith.constant 16 : i32
        %mul3A_268 = arith.muli %add3A_266, %mul3A_267 : i32
        %swap3A_269 = arith.constant 2 : i32
        %swap3A_270 = arith.index_cast %swap3A_269 : i32 to index
        %swap3A_271 = arith.index_cast %mul3A_268 : i32 to index
        %swap3A_272 = tpu.vector_load %arg8[%swap3A_270, %swap3A_271] {strides = array<i32>} : memref<8x1024xf32, #tpu.memory_space<vmem>>, vector<16xf32>,
        tpu.vector_store %arg8[%swap3A_270, %swap3A_271], %gather3A_264 {strides = array<i32>} : memref<8x1024xf32, #tpu.memory_space<vmem>>, vector<16xf32>,
        %gather3A_273 = tpu.memref_slice %arg5[%mul3A_187] : memref<32768xf32, #tpu.memory_space<vmem>> -> memref<1024xf32, #tpu.memory_space<vmem>>
        %gather3A_274 = tpu.vector_load_idx %gather3A_273[%get3A_244] : memref<1024xf32, #tpu.memory_space<vmem>>[vector<16xi32>], vector<16xf32>,
        %add3A_275 = arith.constant 0 : i32
        %add3A_276 = arith.addi %add3A_236, %add3A_275 : i32
        %mul3A_277 = arith.constant 16 : i32
        %mul3A_278 = arith.muli %add3A_276, %mul3A_277 : i32
        %swap3A_279 = arith.constant 3 : i32
        %swap3A_280 = arith.index_cast %swap3A_279 : i32 to index
        %swap3A_281 = arith.index_cast %mul3A_278 : i32 to index
        %swap3A_282 = tpu.vector_load %arg8[%swap3A_280, %swap3A_281] {strides = array<i32>} : memref<8x1024xf32, #tpu.memory_space<vmem>>, vector<16xf32>,
        tpu.vector_store %arg8[%swap3A_280, %swap3A_281], %gather3A_274 {strides = array<i32>} : memref<8x1024xf32, #tpu.memory_space<vmem>>, vector<16xf32>,
        %gather3A_283 = tpu.memref_slice %arg5[%mul3A_193] : memref<32768xf32, #tpu.memory_space<vmem>> -> memref<1024xf32, #tpu.memory_space<vmem>>
        %gather3A_284 = tpu.vector_load_idx %gather3A_283[%get3A_244] : memref<1024xf32, #tpu.memory_space<vmem>>[vector<16xi32>], vector<16xf32>,
        %add3A_285 = arith.constant 0 : i32
        %add3A_286 = arith.addi %add3A_236, %add3A_285 : i32
        %mul3A_287 = arith.constant 16 : i32
        %mul3A_288 = arith.muli %add3A_286, %mul3A_287 : i32
        %swap3A_289 = arith.constant 4 : i32
        %swap3A_290 = arith.index_cast %swap3A_289 : i32 to index
        %swap3A_291 = arith.index_cast %mul3A_288 : i32 to index
        %swap3A_292 = tpu.vector_load %arg8[%swap3A_290, %swap3A_291] {strides = array<i32>} : memref<8x1024xf32, #tpu.memory_space<vmem>>, vector<16xf32>,
        tpu.vector_store %arg8[%swap3A_290, %swap3A_291], %gather3A_284 {strides = array<i32>} : memref<8x1024xf32, #tpu.memory_space<vmem>>, vector<16xf32>,
        %gather3A_293 = tpu.memref_slice %arg5[%mul3A_199] : memref<32768xf32, #tpu.memory_space<vmem>> -> memref<1024xf32, #tpu.memory_space<vmem>>
        %gather3A_294 = tpu.vector_load_idx %gather3A_293[%get3A_244] : memref<1024xf32, #tpu.memory_space<vmem>>[vector<16xi32>], vector<16xf32>,
        %add3A_295 = arith.constant 0 : i32
        %add3A_296 = arith.addi %add3A_236, %add3A_295 : i32
        %mul3A_297 = arith.constant 16 : i32
        %mul3A_298 = arith.muli %add3A_296, %mul3A_297 : i32
        %swap3A_299 = arith.constant 5 : i32
        %swap3A_300 = arith.index_cast %swap3A_299 : i32 to index
        %swap3A_301 = arith.index_cast %mul3A_298 : i32 to index
        %swap3A_302 = tpu.vector_load %arg8[%swap3A_300, %swap3A_301] {strides = array<i32>} : memref<8x1024xf32, #tpu.memory_space<vmem>>, vector<16xf32>,
        tpu.vector_store %arg8[%swap3A_300, %swap3A_301], %gather3A_294 {strides = array<i32>} : memref<8x1024xf32, #tpu.memory_space<vmem>>, vector<16xf32>,
        %gather3A_303 = tpu.memref_slice %arg5[%mul3A_205] : memref<32768xf32, #tpu.memory_space<vmem>> -> memref<1024xf32, #tpu.memory_space<vmem>>
        %gather3A_304 = tpu.vector_load_idx %gather3A_303[%get3A_244] : memref<1024xf32, #tpu.memory_space<vmem>>[vector<16xi32>], vector<16xf32>,
        %add3A_305 = arith.constant 0 : i32
        %add3A_306 = arith.addi %add3A_236, %add3A_305 : i32
        %mul3A_307 = arith.constant 16 : i32
        %mul3A_308 = arith.muli %add3A_306, %mul3A_307 : i32
        %swap3A_309 = arith.constant 6 : i32
        %swap3A_310 = arith.index_cast %swap3A_309 : i32 to index
        %swap3A_311 = arith.index_cast %mul3A_308 : i32 to index
        %swap3A_312 = tpu.vector_load %arg8[%swap3A_310, %swap3A_311] {strides = array<i32>} : memref<8x1024xf32, #tpu.memory_space<vmem>>, vector<16xf32>,
        tpu.vector_store %arg8[%swap3A_310, %swap3A_311], %gather3A_304 {strides = array<i32>} : memref<8x1024xf32, #tpu.memory_space<vmem>>, vector<16xf32>,
        %gather3A_313 = tpu.memref_slice %arg5[%mul3A_211] : memref<32768xf32, #tpu.memory_space<vmem>> -> memref<1024xf32, #tpu.memory_space<vmem>>
        %gather3A_314 = tpu.vector_load_idx %gather3A_313[%get3A_244] : memref<1024xf32, #tpu.memory_space<vmem>>[vector<16xi32>], vector<16xf32>,
        %add3A_315 = arith.constant 0 : i32
        %add3A_316 = arith.addi %add3A_236, %add3A_315 : i32
        %mul3A_317 = arith.constant 16 : i32
        %mul3A_318 = arith.muli %add3A_316, %mul3A_317 : i32
        %swap3A_319 = arith.constant 7 : i32
        %swap3A_320 = arith.index_cast %swap3A_319 : i32 to index
        %swap3A_321 = arith.index_cast %mul3A_318 : i32 to index
        %swap3A_322 = tpu.vector_load %arg8[%swap3A_320, %swap3A_321] {strides = array<i32>} : memref<8x1024xf32, #tpu.memory_space<vmem>>, vector<16xf32>,
        tpu.vector_store %arg8[%swap3A_320, %swap3A_321], %gather3A_314 {strides = array<i32>} : memref<8x1024xf32, #tpu.memory_space<vmem>>, vector<16xf32>,
        %mul3A_323 = arith.constant 1024 : i32
        %mul3A_324 = arith.muli %div3A_156, %mul3A_323 : i32
        %add3A_325 = arith.constant 1 : i32
        %add3A_326 = arith.addi %add3A_236, %add3A_325 : i32
        %mul3A_327 = arith.constant 16 : i32
        %mul3A_328 = arith.muli %add3A_326, %mul3A_327 : i32
        %add3A_329 = arith.addi %mul3A_324, %mul3A_328 : i32
        %get3A_330 = arith.index_cast %add3A_329 : i32 to index
        %get3A_331 = tpu.vector_load %arg6[%get3A_330] {strides = array<i32>} : memref<51200xi32, #tpu.memory_space<vmem>>, vector<16xi32>,
        %gather3A_332 = tpu.memref_slice %arg5[%mul3A_169] : memref<32768xf32, #tpu.memory_space<vmem>> -> memref<1024xf32, #tpu.memory_space<vmem>>
        %gather3A_333 = tpu.vector_load_idx %gather3A_332[%get3A_331] : memref<1024xf32, #tpu.memory_space<vmem>>[vector<16xi32>], vector<16xf32>,
        %add3A_334 = arith.constant 1 : i32
        %add3A_335 = arith.addi %add3A_236, %add3A_334 : i32
        %mul3A_336 = arith.constant 16 : i32
        %mul3A_337 = arith.muli %add3A_335, %mul3A_336 : i32
        %swap3A_338 = arith.constant 0 : i32
        %swap3A_339 = arith.index_cast %swap3A_338 : i32 to index
        %swap3A_340 = arith.index_cast %mul3A_337 : i32 to index
        %swap3A_341 = tpu.vector_load %arg8[%swap3A_339, %swap3A_340] {strides = array<i32>} : memref<8x1024xf32, #tpu.memory_space<vmem>>, vector<16xf32>,
        tpu.vector_store %arg8[%swap3A_339, %swap3A_340], %gather3A_333 {strides = array<i32>} : memref<8x1024xf32, #tpu.memory_space<vmem>>, vector<16xf32>,
        %gather3A_342 = tpu.memref_slice %arg5[%mul3A_175] : memref<32768xf32, #tpu.memory_space<vmem>> -> memref<1024xf32, #tpu.memory_space<vmem>>
        %gather3A_343 = tpu.vector_load_idx %gather3A_342[%get3A_331] : memref<1024xf32, #tpu.memory_space<vmem>>[vector<16xi32>], vector<16xf32>,
        %add3A_344 = arith.constant 1 : i32
        %add3A_345 = arith.addi %add3A_236, %add3A_344 : i32
        %mul3A_346 = arith.constant 16 : i32
        %mul3A_347 = arith.muli %add3A_345, %mul3A_346 : i32
        %swap3A_348 = arith.constant 1 : i32
        %swap3A_349 = arith.index_cast %swap3A_348 : i32 to index
        %swap3A_350 = arith.index_cast %mul3A_347 : i32 to index
        %swap3A_351 = tpu.vector_load %arg8[%swap3A_349, %swap3A_350] {strides = array<i32>} : memref<8x1024xf32, #tpu.memory_space<vmem>>, vector<16xf32>,
        tpu.vector_store %arg8[%swap3A_349, %swap3A_350], %gather3A_343 {strides = array<i32>} : memref<8x1024xf32, #tpu.memory_space<vmem>>, vector<16xf32>,
        %gather3A_352 = tpu.memref_slice %arg5[%mul3A_181] : memref<32768xf32, #tpu.memory_space<vmem>> -> memref<1024xf32, #tpu.memory_space<vmem>>
        %gather3A_353 = tpu.vector_load_idx %gather3A_352[%get3A_331] : memref<1024xf32, #tpu.memory_space<vmem>>[vector<16xi32>], vector<16xf32>,
        %add3A_354 = arith.constant 1 : i32
        %add3A_355 = arith.addi %add3A_236, %add3A_354 : i32
        %mul3A_356 = arith.constant 16 : i32
        %mul3A_357 = arith.muli %add3A_355, %mul3A_356 : i32
        %swap3A_358 = arith.constant 2 : i32
        %swap3A_359 = arith.index_cast %swap3A_358 : i32 to index
        %swap3A_360 = arith.index_cast %mul3A_357 : i32 to index
        %swap3A_361 = tpu.vector_load %arg8[%swap3A_359, %swap3A_360] {strides = array<i32>} : memref<8x1024xf32, #tpu.memory_space<vmem>>, vector<16xf32>,
        tpu.vector_store %arg8[%swap3A_359, %swap3A_360], %gather3A_353 {strides = array<i32>} : memref<8x1024xf32, #tpu.memory_space<vmem>>, vector<16xf32>,
        %gather3A_362 = tpu.memref_slice %arg5[%mul3A_187] : memref<32768xf32, #tpu.memory_space<vmem>> -> memref<1024xf32, #tpu.memory_space<vmem>>
        %gather3A_363 = tpu.vector_load_idx %gather3A_362[%get3A_331] : memref<1024xf32, #tpu.memory_space<vmem>>[vector<16xi32>], vector<16xf32>,
        %add3A_364 = arith.constant 1 : i32
        %add3A_365 = arith.addi %add3A_236, %add3A_364 : i32
        %mul3A_366 = arith.constant 16 : i32
        %mul3A_367 = arith.muli %add3A_365, %mul3A_366 : i32
        %swap3A_368 = arith.constant 3 : i32
        %swap3A_369 = arith.index_cast %swap3A_368 : i32 to index
        %swap3A_370 = arith.index_cast %mul3A_367 : i32 to index
        %swap3A_371 = tpu.vector_load %arg8[%swap3A_369, %swap3A_370] {strides = array<i32>} : memref<8x1024xf32, #tpu.memory_space<vmem>>, vector<16xf32>,
        tpu.vector_store %arg8[%swap3A_369, %swap3A_370], %gather3A_363 {strides = array<i32>} : memref<8x1024xf32, #tpu.memory_space<vmem>>, vector<16xf32>,
        %gather3A_372 = tpu.memref_slice %arg5[%mul3A_193] : memref<32768xf32, #tpu.memory_space<vmem>> -> memref<1024xf32, #tpu.memory_space<vmem>>
        %gather3A_373 = tpu.vector_load_idx %gather3A_372[%get3A_331] : memref<1024xf32, #tpu.memory_space<vmem>>[vector<16xi32>], vector<16xf32>,
        %add3A_374 = arith.constant 1 : i32
        %add3A_375 = arith.addi %add3A_236, %add3A_374 : i32
        %mul3A_376 = arith.constant 16 : i32
        %mul3A_377 = arith.muli %add3A_375, %mul3A_376 : i32
        %swap3A_378 = arith.constant 4 : i32
        %swap3A_379 = arith.index_cast %swap3A_378 : i32 to index
        %swap3A_380 = arith.index_cast %mul3A_377 : i32 to index
        %swap3A_381 = tpu.vector_load %arg8[%swap3A_379, %swap3A_380] {strides = array<i32>} : memref<8x1024xf32, #tpu.memory_space<vmem>>, vector<16xf32>,
        tpu.vector_store %arg8[%swap3A_379, %swap3A_380], %gather3A_373 {strides = array<i32>} : memref<8x1024xf32, #tpu.memory_space<vmem>>, vector<16xf32>,
        %gather3A_382 = tpu.memref_slice %arg5[%mul3A_199] : memref<32768xf32, #tpu.memory_space<vmem>> -> memref<1024xf32, #tpu.memory_space<vmem>>
        %gather3A_383 = tpu.vector_load_idx %gather3A_382[%get3A_331] : memref<1024xf32, #tpu.memory_space<vmem>>[vector<16xi32>], vector<16xf32>,
        %add3A_384 = arith.constant 1 : i32
        %add3A_385 = arith.addi %add3A_236, %add3A_384 : i32
        %mul3A_386 = arith.constant 16 : i32
        %mul3A_387 = arith.muli %add3A_385, %mul3A_386 : i32
        %swap3A_388 = arith.constant 5 : i32
        %swap3A_389 = arith.index_cast %swap3A_388 : i32 to index
        %swap3A_390 = arith.index_cast %mul3A_387 : i32 to index
        %swap3A_391 = tpu.vector_load %arg8[%swap3A_389, %swap3A_390] {strides = array<i32>} : memref<8x1024xf32, #tpu.memory_space<vmem>>, vector<16xf32>,
        tpu.vector_store %arg8[%swap3A_389, %swap3A_390], %gather3A_383 {strides = array<i32>} : memref<8x1024xf32, #tpu.memory_space<vmem>>, vector<16xf32>,
        %gather3A_392 = tpu.memref_slice %arg5[%mul3A_205] : memref<32768xf32, #tpu.memory_space<vmem>> -> memref<1024xf32, #tpu.memory_space<vmem>>
        %gather3A_393 = tpu.vector_load_idx %gather3A_392[%get3A_331] : memref<1024xf32, #tpu.memory_space<vmem>>[vector<16xi32>], vector<16xf32>,
        %add3A_394 = arith.constant 1 : i32
        %add3A_395 = arith.addi %add3A_236, %add3A_394 : i32
        %mul3A_396 = arith.constant 16 : i32
        %mul3A_397 = arith.muli %add3A_395, %mul3A_396 : i32
        %swap3A_398 = arith.constant 6 : i32
        %swap3A_399 = arith.index_cast %swap3A_398 : i32 to index
        %swap3A_400 = arith.index_cast %mul3A_397 : i32 to index
        %swap3A_401 = tpu.vector_load %arg8[%swap3A_399, %swap3A_400] {strides = array<i32>} : memref<8x1024xf32, #tpu.memory_space<vmem>>, vector<16xf32>,
        tpu.vector_store %arg8[%swap3A_399, %swap3A_400], %gather3A_393 {strides = array<i32>} : memref<8x1024xf32, #tpu.memory_space<vmem>>, vector<16xf32>,
        %gather3A_402 = tpu.memref_slice %arg5[%mul3A_211] : memref<32768xf32, #tpu.memory_space<vmem>> -> memref<1024xf32, #tpu.memory_space<vmem>>
        %gather3A_403 = tpu.vector_load_idx %gather3A_402[%get3A_331] : memref<1024xf32, #tpu.memory_space<vmem>>[vector<16xi32>], vector<16xf32>,
        %add3A_404 = arith.constant 1 : i32
        %add3A_405 = arith.addi %add3A_236, %add3A_404 : i32
        %mul3A_406 = arith.constant 16 : i32
        %mul3A_407 = arith.muli %add3A_405, %mul3A_406 : i32
        %swap3A_408 = arith.constant 7 : i32
        %swap3A_409 = arith.index_cast %swap3A_408 : i32 to index
        %swap3A_410 = arith.index_cast %mul3A_407 : i32 to index
        %swap3A_411 = tpu.vector_load %arg8[%swap3A_409, %swap3A_410] {strides = array<i32>} : memref<8x1024xf32, #tpu.memory_space<vmem>>, vector<16xf32>,
        tpu.vector_store %arg8[%swap3A_409, %swap3A_410], %gather3A_403 {strides = array<i32>} : memref<8x1024xf32, #tpu.memory_space<vmem>>, vector<16xf32>,
      }
      %scan3A_216 = arith.constant 32 : i32
      %mul3A_217 = arith.constant 8 : i32
      %mul3A_218 = arith.muli %sub3A_158, %mul3A_217 : i32
      %add3A_219 = arith.addi %mul3A_12, %mul3A_218 : i32
      %dma_start3A_220 = arith.constant 0 : i32
      %dma_start3A_221 = arith.constant 0 : i32
      %dma_start3A_222 = tpu.memref_slice %arg4[%div3A_156, %dma_start3A_220, %dma_start3A_221] : memref<50x1000x1024xf32, #tpu.memory_space<hbm>> -> memref<1x1000x1024xf32, #tpu.memory_space<hbm>>
      %dma_start3A_223 = tpu.memref_squeeze %dma_start3A_222 : memref<1x1000x1024xf32, #tpu.memory_space<hbm>> -> memref<1000x1024xf32, #tpu.memory_space<hbm>>
      %dma_start3A_224 = arith.constant 0 : i32
      %dma_start3A_225 = tpu.memref_slice %dma_start3A_223[%add3A_219, %dma_start3A_224] : memref<1000x1024xf32, #tpu.memory_space<hbm>> -> memref<8x1024xf32, #tpu.memory_space<hbm>>
      %dma_start3A_226 = arith.constant 0 : i32
      %dma_start3A_227 = arith.constant 0 : i32
      %dma_start3A_228 = tpu.memref_slice %arg4[%div3A_156, %dma_start3A_226, %dma_start3A_227] : memref<50x1000x1024xf32, #tpu.memory_space<hbm>> -> memref<1x1000x1024xf32, #tpu.memory_space<hbm>>
      %dma_start3A_229 = tpu.memref_squeeze %dma_start3A_228 : memref<1x1000x1024xf32, #tpu.memory_space<hbm>> -> memref<1000x1024xf32, #tpu.memory_space<hbm>>
      %dma_start3A_230 = arith.constant 0 : i32
      %dma_start3A_231 = tpu.memref_slice %dma_start3A_229[%add3A_219, %dma_start3A_230] : memref<1000x1024xf32, #tpu.memory_space<hbm>> -> memref<8x1024xf32, #tpu.memory_space<hbm>>
      tpu.enqueue_dma source(%arg8 : memref<8x1024xf32, #tpu.memory_space<vmem>>) target(%dma_start3A_231 : memref<8x1024xf32, #tpu.memory_space<hbm>>) target_semaphore(%arg10 : memref<!tpu.dma_semaphore, #tpu.memory_space<semaphore_mem>>)
    }
    %while3A_33 = arith.constant 1 : i32
    scf.for %while3A_77 = %while3A_31 to %while3A_27 step %while3A_33  : i32 {
      %mul3A_78 = arith.muli %while3A_77, %while3A : i32
      %add3A_79 = arith.addi %while3A_24, %mul3A_78 : i32
      %add3A_80 = arith.constant 0 : i32
      %add3A_81 = arith.addi %add3A_79, %add3A_80 : i32
      %div3A_82 = arith.divsi %add3A_81, %select_n3A : i32
      %mul3A_83 = arith.muli %div3A_82, %select_n3A : i32
      %sub3A_84 = arith.subi %add3A_81, %mul3A_83 : i32
      %ge3A_85 = arith.constant 2 : i32
      %ge3A_86 = arith.cmpi sge, %add3A_81, %ge3A_85 : i32
      %convert_element_type3A = arith.extui %ge3A_86 : i1 to i32
      %cond3A = arith.constant 0 : i32
      %cond3A_87 = arith.cmpi ne, %convert_element_type3A, %cond3A : i32
      scf.if %cond3A_87 {
        %mul3A_232 = arith.constant 8 : i32
        %mul3A_233 = arith.muli %sub3A_84, %mul3A_232 : i32
        %add3A_234 = arith.addi %mul3A_12, %mul3A_233 : i32
        %dma_wait3A_235 = arith.constant 0 : i32
        %dma_wait3A_236 = arith.constant 0 : i32
        %dma_wait3A_237 = tpu.memref_slice %arg4[%div3A_82, %dma_wait3A_235, %dma_wait3A_236] : memref<50x1000x1024xf32, #tpu.memory_space<hbm>> -> memref<1x1000x1024xf32, #tpu.memory_space<hbm>>
        %dma_wait3A_238 = tpu.memref_squeeze %dma_wait3A_237 : memref<1x1000x1024xf32, #tpu.memory_space<hbm>> -> memref<1000x1024xf32, #tpu.memory_space<hbm>>
        %dma_wait3A_239 = arith.constant 0 : i32
        %dma_wait3A_240 = tpu.memref_slice %dma_wait3A_238[%add3A_234, %dma_wait3A_239] : memref<1000x1024xf32, #tpu.memory_space<hbm>> -> memref<8x1024xf32, #tpu.memory_space<hbm>>
        %dma_wait3A_241 = arith.constant 0 : i32
        %dma_wait3A_242 = arith.constant 0 : i32
        %dma_wait3A_243 = tpu.memref_slice %arg4[%div3A_82, %dma_wait3A_241, %dma_wait3A_242] : memref<50x1000x1024xf32, #tpu.memory_space<hbm>> -> memref<1x1000x1024xf32, #tpu.memory_space<hbm>>
        %dma_wait3A_244 = tpu.memref_squeeze %dma_wait3A_243 : memref<1x1000x1024xf32, #tpu.memory_space<hbm>> -> memref<1000x1024xf32, #tpu.memory_space<hbm>>
        %dma_wait3A_245 = arith.constant 0 : i32
        %dma_wait3A_246 = tpu.memref_slice %dma_wait3A_244[%add3A_234, %dma_wait3A_245] : memref<1000x1024xf32, #tpu.memory_space<hbm>> -> memref<8x1024xf32, #tpu.memory_space<hbm>>
        tpu.wait_dma2 semaphore(%arg9 : memref<!tpu.dma_semaphore, #tpu.memory_space<semaphore_mem>>) src(%arg7 : memref<8x1024xf32, #tpu.memory_space<vmem>>) dst(%dma_wait3A_246 : memref<8x1024xf32, #tpu.memory_space<hbm>>)
      } else {
      }
      %mul3A_88 = arith.constant 8 : i32
      %mul3A_89 = arith.muli %sub3A_84, %mul3A_88 : i32
      %add3A_90 = arith.constant 0 : i32
      %add3A_91 = arith.addi %mul3A_89, %add3A_90 : i32
      %mul3A_92 = arith.constant 1024 : i32
      %mul3A_93 = arith.muli %add3A_91, %mul3A_92 : i32
      %mul3A_94 = arith.constant 8 : i32
      %mul3A_95 = arith.muli %sub3A_84, %mul3A_94 : i32
      %add3A_96 = arith.constant 1 : i32
      %add3A_97 = arith.addi %mul3A_95, %add3A_96 : i32
      %mul3A_98 = arith.constant 1024 : i32
      %mul3A_99 = arith.muli %add3A_97, %mul3A_98 : i32
      %mul3A_100 = arith.constant 8 : i32
      %mul3A_101 = arith.muli %sub3A_84, %mul3A_100 : i32
      %add3A_102 = arith.constant 2 : i32
      %add3A_103 = arith.addi %mul3A_101, %add3A_102 : i32
      %mul3A_104 = arith.constant 1024 : i32
      %mul3A_105 = arith.muli %add3A_103, %mul3A_104 : i32
      %mul3A_106 = arith.constant 8 : i32
      %mul3A_107 = arith.muli %sub3A_84, %mul3A_106 : i32
      %add3A_108 = arith.constant 3 : i32
      %add3A_109 = arith.addi %mul3A_107, %add3A_108 : i32
      %mul3A_110 = arith.constant 1024 : i32
      %mul3A_111 = arith.muli %add3A_109, %mul3A_110 : i32
      %mul3A_112 = arith.constant 8 : i32
      %mul3A_113 = arith.muli %sub3A_84, %mul3A_112 : i32
      %add3A_114 = arith.constant 4 : i32
      %add3A_115 = arith.addi %mul3A_113, %add3A_114 : i32
      %mul3A_116 = arith.constant 1024 : i32
      %mul3A_117 = arith.muli %add3A_115, %mul3A_116 : i32
      %mul3A_118 = arith.constant 8 : i32
      %mul3A_119 = arith.muli %sub3A_84, %mul3A_118 : i32
      %add3A_120 = arith.constant 5 : i32
      %add3A_121 = arith.addi %mul3A_119, %add3A_120 : i32
      %mul3A_122 = arith.constant 1024 : i32
      %mul3A_123 = arith.muli %add3A_121, %mul3A_122 : i32
      %mul3A_124 = arith.constant 8 : i32
      %mul3A_125 = arith.muli %sub3A_84, %mul3A_124 : i32
      %add3A_126 = arith.constant 6 : i32
      %add3A_127 = arith.addi %mul3A_125, %add3A_126 : i32
      %mul3A_128 = arith.constant 1024 : i32
      %mul3A_129 = arith.muli %add3A_127, %mul3A_128 : i32
      %mul3A_130 = arith.constant 8 : i32
      %mul3A_131 = arith.muli %sub3A_84, %mul3A_130 : i32
      %add3A_132 = arith.constant 7 : i32
      %add3A_133 = arith.addi %mul3A_131, %add3A_132 : i32
      %mul3A_134 = arith.constant 1024 : i32
      %mul3A_135 = arith.muli %add3A_133, %mul3A_134 : i32
      %scan3A = arith.constant 0 : i32
      %scan3A_136 = arith.constant 32 : i32
      %scan3A_137 = arith.addi %scan3A, %scan3A_136 : i32
      %scan3A_138 = arith.constant 1 : i32
      scf.for %scan3A_232 = %scan3A to %scan3A_137 step %scan3A_138  : i32 {
        %mul3A_233 = arith.constant 2 : i32
        %mul3A_234 = arith.muli %scan3A_232, %mul3A_233 : i32
        %add3A_235 = arith.constant 0 : i32
        %add3A_236 = arith.addi %add3A_235, %mul3A_234 : i32
        %mul3A_237 = arith.constant 1024 : i32
        %mul3A_238 = arith.muli %div3A_82, %mul3A_237 : i32
        %add3A_239 = arith.constant 0 : i32
        %add3A_240 = arith.addi %add3A_236, %add3A_239 : i32
        %mul3A_241 = arith.constant 16 : i32
        %mul3A_242 = arith.muli %add3A_240, %mul3A_241 : i32
        %add3A_243 = arith.addi %mul3A_238, %mul3A_242 : i32
        %get3A = arith.index_cast %add3A_243 : i32 to index
        %get3A_244 = tpu.vector_load %arg6[%get3A] {strides = array<i32>} : memref<51200xi32, #tpu.memory_space<vmem>>, vector<16xi32>,
        %gather3A = tpu.memref_slice %arg5[%mul3A_93] : memref<32768xf32, #tpu.memory_space<vmem>> -> memref<1024xf32, #tpu.memory_space<vmem>>
        %gather3A_245 = tpu.vector_load_idx %gather3A[%get3A_244] : memref<1024xf32, #tpu.memory_space<vmem>>[vector<16xi32>], vector<16xf32>,
        %add3A_246 = arith.constant 0 : i32
        %add3A_247 = arith.addi %add3A_236, %add3A_246 : i32
        %mul3A_248 = arith.constant 16 : i32
        %mul3A_249 = arith.muli %add3A_247, %mul3A_248 : i32
        %swap3A = arith.constant 0 : i32
        %swap3A_250 = arith.index_cast %swap3A : i32 to index
        %swap3A_251 = arith.index_cast %mul3A_249 : i32 to index
        %swap3A_252 = tpu.vector_load %arg7[%swap3A_250, %swap3A_251] {strides = array<i32>} : memref<8x1024xf32, #tpu.memory_space<vmem>>, vector<16xf32>,
        tpu.vector_store %arg7[%swap3A_250, %swap3A_251], %gather3A_245 {strides = array<i32>} : memref<8x1024xf32, #tpu.memory_space<vmem>>, vector<16xf32>,
        %gather3A_253 = tpu.memref_slice %arg5[%mul3A_99] : memref<32768xf32, #tpu.memory_space<vmem>> -> memref<1024xf32, #tpu.memory_space<vmem>>
        %gather3A_254 = tpu.vector_load_idx %gather3A_253[%get3A_244] : memref<1024xf32, #tpu.memory_space<vmem>>[vector<16xi32>], vector<16xf32>,
        %add3A_255 = arith.constant 0 : i32
        %add3A_256 = arith.addi %add3A_236, %add3A_255 : i32
        %mul3A_257 = arith.constant 16 : i32
        %mul3A_258 = arith.muli %add3A_256, %mul3A_257 : i32
        %swap3A_259 = arith.constant 1 : i32
        %swap3A_260 = arith.index_cast %swap3A_259 : i32 to index
        %swap3A_261 = arith.index_cast %mul3A_258 : i32 to index
        %swap3A_262 = tpu.vector_load %arg7[%swap3A_260, %swap3A_261] {strides = array<i32>} : memref<8x1024xf32, #tpu.memory_space<vmem>>, vector<16xf32>,
        tpu.vector_store %arg7[%swap3A_260, %swap3A_261], %gather3A_254 {strides = array<i32>} : memref<8x1024xf32, #tpu.memory_space<vmem>>, vector<16xf32>,
        %gather3A_263 = tpu.memref_slice %arg5[%mul3A_105] : memref<32768xf32, #tpu.memory_space<vmem>> -> memref<1024xf32, #tpu.memory_space<vmem>>
        %gather3A_264 = tpu.vector_load_idx %gather3A_263[%get3A_244] : memref<1024xf32, #tpu.memory_space<vmem>>[vector<16xi32>], vector<16xf32>,
        %add3A_265 = arith.constant 0 : i32
        %add3A_266 = arith.addi %add3A_236, %add3A_265 : i32
        %mul3A_267 = arith.constant 16 : i32
        %mul3A_268 = arith.muli %add3A_266, %mul3A_267 : i32
        %swap3A_269 = arith.constant 2 : i32
        %swap3A_270 = arith.index_cast %swap3A_269 : i32 to index
        %swap3A_271 = arith.index_cast %mul3A_268 : i32 to index
        %swap3A_272 = tpu.vector_load %arg7[%swap3A_270, %swap3A_271] {strides = array<i32>} : memref<8x1024xf32, #tpu.memory_space<vmem>>, vector<16xf32>,
        tpu.vector_store %arg7[%swap3A_270, %swap3A_271], %gather3A_264 {strides = array<i32>} : memref<8x1024xf32, #tpu.memory_space<vmem>>, vector<16xf32>,
        %gather3A_273 = tpu.memref_slice %arg5[%mul3A_111] : memref<32768xf32, #tpu.memory_space<vmem>> -> memref<1024xf32, #tpu.memory_space<vmem>>
        %gather3A_274 = tpu.vector_load_idx %gather3A_273[%get3A_244] : memref<1024xf32, #tpu.memory_space<vmem>>[vector<16xi32>], vector<16xf32>,
        %add3A_275 = arith.constant 0 : i32
        %add3A_276 = arith.addi %add3A_236, %add3A_275 : i32
        %mul3A_277 = arith.constant 16 : i32
        %mul3A_278 = arith.muli %add3A_276, %mul3A_277 : i32
        %swap3A_279 = arith.constant 3 : i32
        %swap3A_280 = arith.index_cast %swap3A_279 : i32 to index
        %swap3A_281 = arith.index_cast %mul3A_278 : i32 to index
        %swap3A_282 = tpu.vector_load %arg7[%swap3A_280, %swap3A_281] {strides = array<i32>} : memref<8x1024xf32, #tpu.memory_space<vmem>>, vector<16xf32>,
        tpu.vector_store %arg7[%swap3A_280, %swap3A_281], %gather3A_274 {strides = array<i32>} : memref<8x1024xf32, #tpu.memory_space<vmem>>, vector<16xf32>,
        %gather3A_283 = tpu.memref_slice %arg5[%mul3A_117] : memref<32768xf32, #tpu.memory_space<vmem>> -> memref<1024xf32, #tpu.memory_space<vmem>>
        %gather3A_284 = tpu.vector_load_idx %gather3A_283[%get3A_244] : memref<1024xf32, #tpu.memory_space<vmem>>[vector<16xi32>], vector<16xf32>,
        %add3A_285 = arith.constant 0 : i32
        %add3A_286 = arith.addi %add3A_236, %add3A_285 : i32
        %mul3A_287 = arith.constant 16 : i32
        %mul3A_288 = arith.muli %add3A_286, %mul3A_287 : i32
        %swap3A_289 = arith.constant 4 : i32
        %swap3A_290 = arith.index_cast %swap3A_289 : i32 to index
        %swap3A_291 = arith.index_cast %mul3A_288 : i32 to index
        %swap3A_292 = tpu.vector_load %arg7[%swap3A_290, %swap3A_291] {strides = array<i32>} : memref<8x1024xf32, #tpu.memory_space<vmem>>, vector<16xf32>,
        tpu.vector_store %arg7[%swap3A_290, %swap3A_291], %gather3A_284 {strides = array<i32>} : memref<8x1024xf32, #tpu.memory_space<vmem>>, vector<16xf32>,
        %gather3A_293 = tpu.memref_slice %arg5[%mul3A_123] : memref<32768xf32, #tpu.memory_space<vmem>> -> memref<1024xf32, #tpu.memory_space<vmem>>
        %gather3A_294 = tpu.vector_load_idx %gather3A_293[%get3A_244] : memref<1024xf32, #tpu.memory_space<vmem>>[vector<16xi32>], vector<16xf32>,
        %add3A_295 = arith.constant 0 : i32
        %add3A_296 = arith.addi %add3A_236, %add3A_295 : i32
        %mul3A_297 = arith.constant 16 : i32
        %mul3A_298 = arith.muli %add3A_296, %mul3A_297 : i32
        %swap3A_299 = arith.constant 5 : i32
        %swap3A_300 = arith.index_cast %swap3A_299 : i32 to index
        %swap3A_301 = arith.index_cast %mul3A_298 : i32 to index
        %swap3A_302 = tpu.vector_load %arg7[%swap3A_300, %swap3A_301] {strides = array<i32>} : memref<8x1024xf32, #tpu.memory_space<vmem>>, vector<16xf32>,
        tpu.vector_store %arg7[%swap3A_300, %swap3A_301], %gather3A_294 {strides = array<i32>} : memref<8x1024xf32, #tpu.memory_space<vmem>>, vector<16xf32>,
        %gather3A_303 = tpu.memref_slice %arg5[%mul3A_129] : memref<32768xf32, #tpu.memory_space<vmem>> -> memref<1024xf32, #tpu.memory_space<vmem>>
        %gather3A_304 = tpu.vector_load_idx %gather3A_303[%get3A_244] : memref<1024xf32, #tpu.memory_space<vmem>>[vector<16xi32>], vector<16xf32>,
        %add3A_305 = arith.constant 0 : i32
        %add3A_306 = arith.addi %add3A_236, %add3A_305 : i32
        %mul3A_307 = arith.constant 16 : i32
        %mul3A_308 = arith.muli %add3A_306, %mul3A_307 : i32
        %swap3A_309 = arith.constant 6 : i32
        %swap3A_310 = arith.index_cast %swap3A_309 : i32 to index
        %swap3A_311 = arith.index_cast %mul3A_308 : i32 to index
        %swap3A_312 = tpu.vector_load %arg7[%swap3A_310, %swap3A_311] {strides = array<i32>} : memref<8x1024xf32, #tpu.memory_space<vmem>>, vector<16xf32>,
        tpu.vector_store %arg7[%swap3A_310, %swap3A_311], %gather3A_304 {strides = array<i32>} : memref<8x1024xf32, #tpu.memory_space<vmem>>, vector<16xf32>,
        %gather3A_313 = tpu.memref_slice %arg5[%mul3A_135] : memref<32768xf32, #tpu.memory_space<vmem>> -> memref<1024xf32, #tpu.memory_space<vmem>>
        %gather3A_314 = tpu.vector_load_idx %gather3A_313[%get3A_244] : memref<1024xf32, #tpu.memory_space<vmem>>[vector<16xi32>], vector<16xf32>,
        %add3A_315 = arith.constant 0 : i32
        %add3A_316 = arith.addi %add3A_236, %add3A_315 : i32
        %mul3A_317 = arith.constant 16 : i32
        %mul3A_318 = arith.muli %add3A_316, %mul3A_317 : i32
        %swap3A_319 = arith.constant 7 : i32
        %swap3A_320 = arith.index_cast %swap3A_319 : i32 to index
        %swap3A_321 = arith.index_cast %mul3A_318 : i32 to index
        %swap3A_322 = tpu.vector_load %arg7[%swap3A_320, %swap3A_321] {strides = array<i32>} : memref<8x1024xf32, #tpu.memory_space<vmem>>, vector<16xf32>,
        tpu.vector_store %arg7[%swap3A_320, %swap3A_321], %gather3A_314 {strides = array<i32>} : memref<8x1024xf32, #tpu.memory_space<vmem>>, vector<16xf32>,
        %mul3A_323 = arith.constant 1024 : i32
        %mul3A_324 = arith.muli %div3A_82, %mul3A_323 : i32
        %add3A_325 = arith.constant 1 : i32
        %add3A_326 = arith.addi %add3A_236, %add3A_325 : i32
        %mul3A_327 = arith.constant 16 : i32
        %mul3A_328 = arith.muli %add3A_326, %mul3A_327 : i32
        %add3A_329 = arith.addi %mul3A_324, %mul3A_328 : i32
        %get3A_330 = arith.index_cast %add3A_329 : i32 to index
        %get3A_331 = tpu.vector_load %arg6[%get3A_330] {strides = array<i32>} : memref<51200xi32, #tpu.memory_space<vmem>>, vector<16xi32>,
        %gather3A_332 = tpu.memref_slice %arg5[%mul3A_93] : memref<32768xf32, #tpu.memory_space<vmem>> -> memref<1024xf32, #tpu.memory_space<vmem>>
        %gather3A_333 = tpu.vector_load_idx %gather3A_332[%get3A_331] : memref<1024xf32, #tpu.memory_space<vmem>>[vector<16xi32>], vector<16xf32>,
        %add3A_334 = arith.constant 1 : i32
        %add3A_335 = arith.addi %add3A_236, %add3A_334 : i32
        %mul3A_336 = arith.constant 16 : i32
        %mul3A_337 = arith.muli %add3A_335, %mul3A_336 : i32
        %swap3A_338 = arith.constant 0 : i32
        %swap3A_339 = arith.index_cast %swap3A_338 : i32 to index
        %swap3A_340 = arith.index_cast %mul3A_337 : i32 to index
        %swap3A_341 = tpu.vector_load %arg7[%swap3A_339, %swap3A_340] {strides = array<i32>} : memref<8x1024xf32, #tpu.memory_space<vmem>>, vector<16xf32>,
        tpu.vector_store %arg7[%swap3A_339, %swap3A_340], %gather3A_333 {strides = array<i32>} : memref<8x1024xf32, #tpu.memory_space<vmem>>, vector<16xf32>,
        %gather3A_342 = tpu.memref_slice %arg5[%mul3A_99] : memref<32768xf32, #tpu.memory_space<vmem>> -> memref<1024xf32, #tpu.memory_space<vmem>>
        %gather3A_343 = tpu.vector_load_idx %gather3A_342[%get3A_331] : memref<1024xf32, #tpu.memory_space<vmem>>[vector<16xi32>], vector<16xf32>,
        %add3A_344 = arith.constant 1 : i32
        %add3A_345 = arith.addi %add3A_236, %add3A_344 : i32
        %mul3A_346 = arith.constant 16 : i32
        %mul3A_347 = arith.muli %add3A_345, %mul3A_346 : i32
        %swap3A_348 = arith.constant 1 : i32
        %swap3A_349 = arith.index_cast %swap3A_348 : i32 to index
        %swap3A_350 = arith.index_cast %mul3A_347 : i32 to index
        %swap3A_351 = tpu.vector_load %arg7[%swap3A_349, %swap3A_350] {strides = array<i32>} : memref<8x1024xf32, #tpu.memory_space<vmem>>, vector<16xf32>,
        tpu.vector_store %arg7[%swap3A_349, %swap3A_350], %gather3A_343 {strides = array<i32>} : memref<8x1024xf32, #tpu.memory_space<vmem>>, vector<16xf32>,
        %gather3A_352 = tpu.memref_slice %arg5[%mul3A_105] : memref<32768xf32, #tpu.memory_space<vmem>> -> memref<1024xf32, #tpu.memory_space<vmem>>
        %gather3A_353 = tpu.vector_load_idx %gather3A_352[%get3A_331] : memref<1024xf32, #tpu.memory_space<vmem>>[vector<16xi32>], vector<16xf32>,
        %add3A_354 = arith.constant 1 : i32
        %add3A_355 = arith.addi %add3A_236, %add3A_354 : i32
        %mul3A_356 = arith.constant 16 : i32
        %mul3A_357 = arith.muli %add3A_355, %mul3A_356 : i32
        %swap3A_358 = arith.constant 2 : i32
        %swap3A_359 = arith.index_cast %swap3A_358 : i32 to index
        %swap3A_360 = arith.index_cast %mul3A_357 : i32 to index
        %swap3A_361 = tpu.vector_load %arg7[%swap3A_359, %swap3A_360] {strides = array<i32>} : memref<8x1024xf32, #tpu.memory_space<vmem>>, vector<16xf32>,
        tpu.vector_store %arg7[%swap3A_359, %swap3A_360], %gather3A_353 {strides = array<i32>} : memref<8x1024xf32, #tpu.memory_space<vmem>>, vector<16xf32>,
        %gather3A_362 = tpu.memref_slice %arg5[%mul3A_111] : memref<32768xf32, #tpu.memory_space<vmem>> -> memref<1024xf32, #tpu.memory_space<vmem>>
        %gather3A_363 = tpu.vector_load_idx %gather3A_362[%get3A_331] : memref<1024xf32, #tpu.memory_space<vmem>>[vector<16xi32>], vector<16xf32>,
        %add3A_364 = arith.constant 1 : i32
        %add3A_365 = arith.addi %add3A_236, %add3A_364 : i32
        %mul3A_366 = arith.constant 16 : i32
        %mul3A_367 = arith.muli %add3A_365, %mul3A_366 : i32
        %swap3A_368 = arith.constant 3 : i32
        %swap3A_369 = arith.index_cast %swap3A_368 : i32 to index
        %swap3A_370 = arith.index_cast %mul3A_367 : i32 to index
        %swap3A_371 = tpu.vector_load %arg7[%swap3A_369, %swap3A_370] {strides = array<i32>} : memref<8x1024xf32, #tpu.memory_space<vmem>>, vector<16xf32>,
        tpu.vector_store %arg7[%swap3A_369, %swap3A_370], %gather3A_363 {strides = array<i32>} : memref<8x1024xf32, #tpu.memory_space<vmem>>, vector<16xf32>,
        %gather3A_372 = tpu.memref_slice %arg5[%mul3A_117] : memref<32768xf32, #tpu.memory_space<vmem>> -> memref<1024xf32, #tpu.memory_space<vmem>>
        %gather3A_373 = tpu.vector_load_idx %gather3A_372[%get3A_331] : memref<1024xf32, #tpu.memory_space<vmem>>[vector<16xi32>], vector<16xf32>,
        %add3A_374 = arith.constant 1 : i32
        %add3A_375 = arith.addi %add3A_236, %add3A_374 : i32
        %mul3A_376 = arith.constant 16 : i32
        %mul3A_377 = arith.muli %add3A_375, %mul3A_376 : i32
        %swap3A_378 = arith.constant 4 : i32
        %swap3A_379 = arith.index_cast %swap3A_378 : i32 to index
        %swap3A_380 = arith.index_cast %mul3A_377 : i32 to index
        %swap3A_381 = tpu.vector_load %arg7[%swap3A_379, %swap3A_380] {strides = array<i32>} : memref<8x1024xf32, #tpu.memory_space<vmem>>, vector<16xf32>,
        tpu.vector_store %arg7[%swap3A_379, %swap3A_380], %gather3A_373 {strides = array<i32>} : memref<8x1024xf32, #tpu.memory_space<vmem>>, vector<16xf32>,
        %gather3A_382 = tpu.memref_slice %arg5[%mul3A_123] : memref<32768xf32, #tpu.memory_space<vmem>> -> memref<1024xf32, #tpu.memory_space<vmem>>
        %gather3A_383 = tpu.vector_load_idx %gather3A_382[%get3A_331] : memref<1024xf32, #tpu.memory_space<vmem>>[vector<16xi32>], vector<16xf32>,
        %add3A_384 = arith.constant 1 : i32
        %add3A_385 = arith.addi %add3A_236, %add3A_384 : i32
        %mul3A_386 = arith.constant 16 : i32
        %mul3A_387 = arith.muli %add3A_385, %mul3A_386 : i32
        %swap3A_388 = arith.constant 5 : i32
        %swap3A_389 = arith.index_cast %swap3A_388 : i32 to index
        %swap3A_390 = arith.index_cast %mul3A_387 : i32 to index
        %swap3A_391 = tpu.vector_load %arg7[%swap3A_389, %swap3A_390] {strides = array<i32>} : memref<8x1024xf32, #tpu.memory_space<vmem>>, vector<16xf32>,
        tpu.vector_store %arg7[%swap3A_389, %swap3A_390], %gather3A_383 {strides = array<i32>} : memref<8x1024xf32, #tpu.memory_space<vmem>>, vector<16xf32>,
        %gather3A_392 = tpu.memref_slice %arg5[%mul3A_129] : memref<32768xf32, #tpu.memory_space<vmem>> -> memref<1024xf32, #tpu.memory_space<vmem>>
        %gather3A_393 = tpu.vector_load_idx %gather3A_392[%get3A_331] : memref<1024xf32, #tpu.memory_space<vmem>>[vector<16xi32>], vector<16xf32>,
        %add3A_394 = arith.constant 1 : i32
        %add3A_395 = arith.addi %add3A_236, %add3A_394 : i32
        %mul3A_396 = arith.constant 16 : i32
        %mul3A_397 = arith.muli %add3A_395, %mul3A_396 : i32
        %swap3A_398 = arith.constant 6 : i32
        %swap3A_399 = arith.index_cast %swap3A_398 : i32 to index
        %swap3A_400 = arith.index_cast %mul3A_397 : i32 to index
        %swap3A_401 = tpu.vector_load %arg7[%swap3A_399, %swap3A_400] {strides = array<i32>} : memref<8x1024xf32, #tpu.memory_space<vmem>>, vector<16xf32>,
        tpu.vector_store %arg7[%swap3A_399, %swap3A_400], %gather3A_393 {strides = array<i32>} : memref<8x1024xf32, #tpu.memory_space<vmem>>, vector<16xf32>,
        %gather3A_402 = tpu.memref_slice %arg5[%mul3A_135] : memref<32768xf32, #tpu.memory_space<vmem>> -> memref<1024xf32, #tpu.memory_space<vmem>>
        %gather3A_403 = tpu.vector_load_idx %gather3A_402[%get3A_331] : memref<1024xf32, #tpu.memory_space<vmem>>[vector<16xi32>], vector<16xf32>,
        %add3A_404 = arith.constant 1 : i32
        %add3A_405 = arith.addi %add3A_236, %add3A_404 : i32
        %mul3A_406 = arith.constant 16 : i32
        %mul3A_407 = arith.muli %add3A_405, %mul3A_406 : i32
        %swap3A_408 = arith.constant 7 : i32
        %swap3A_409 = arith.index_cast %swap3A_408 : i32 to index
        %swap3A_410 = arith.index_cast %mul3A_407 : i32 to index
        %swap3A_411 = tpu.vector_load %arg7[%swap3A_409, %swap3A_410] {strides = array<i32>} : memref<8x1024xf32, #tpu.memory_space<vmem>>, vector<16xf32>,
        tpu.vector_store %arg7[%swap3A_409, %swap3A_410], %gather3A_403 {strides = array<i32>} : memref<8x1024xf32, #tpu.memory_space<vmem>>, vector<16xf32>,
      }
      %scan3A_139 = arith.constant 32 : i32
      %mul3A_140 = arith.constant 8 : i32
      %mul3A_141 = arith.muli %sub3A_84, %mul3A_140 : i32
      %add3A_142 = arith.addi %mul3A_12, %mul3A_141 : i32
      %dma_start3A = arith.constant 0 : i32
      %dma_start3A_143 = arith.constant 0 : i32
      %dma_start3A_144 = tpu.memref_slice %arg4[%div3A_82, %dma_start3A, %dma_start3A_143] : memref<50x1000x1024xf32, #tpu.memory_space<hbm>> -> memref<1x1000x1024xf32, #tpu.memory_space<hbm>>
      %dma_start3A_145 = tpu.memref_squeeze %dma_start3A_144 : memref<1x1000x1024xf32, #tpu.memory_space<hbm>> -> memref<1000x1024xf32, #tpu.memory_space<hbm>>
      %dma_start3A_146 = arith.constant 0 : i32
      %dma_start3A_147 = tpu.memref_slice %dma_start3A_145[%add3A_142, %dma_start3A_146] : memref<1000x1024xf32, #tpu.memory_space<hbm>> -> memref<8x1024xf32, #tpu.memory_space<hbm>>
      %dma_start3A_148 = arith.constant 0 : i32
      %dma_start3A_149 = arith.constant 0 : i32
      %dma_start3A_150 = tpu.memref_slice %arg4[%div3A_82, %dma_start3A_148, %dma_start3A_149] : memref<50x1000x1024xf32, #tpu.memory_space<hbm>> -> memref<1x1000x1024xf32, #tpu.memory_space<hbm>>
      %dma_start3A_151 = tpu.memref_squeeze %dma_start3A_150 : memref<1x1000x1024xf32, #tpu.memory_space<hbm>> -> memref<1000x1024xf32, #tpu.memory_space<hbm>>
      %dma_start3A_152 = arith.constant 0 : i32
      %dma_start3A_153 = tpu.memref_slice %dma_start3A_151[%add3A_142, %dma_start3A_152] : memref<1000x1024xf32, #tpu.memory_space<hbm>> -> memref<8x1024xf32, #tpu.memory_space<hbm>>
      tpu.enqueue_dma source(%arg7 : memref<8x1024xf32, #tpu.memory_space<vmem>>) target(%dma_start3A_153 : memref<8x1024xf32, #tpu.memory_space<hbm>>) target_semaphore(%arg9 : memref<!tpu.dma_semaphore, #tpu.memory_space<semaphore_mem>>)
      %add3A_154 = arith.constant 1 : i32
      %add3A_155 = arith.addi %add3A_79, %add3A_154 : i32
      %div3A_156 = arith.divsi %add3A_155, %select_n3A : i32
      %mul3A_157 = arith.muli %div3A_156, %select_n3A : i32
      %sub3A_158 = arith.subi %add3A_155, %mul3A_157 : i32
      %ge3A_159 = arith.constant 2 : i32
      %ge3A_160 = arith.cmpi sge, %add3A_155, %ge3A_159 : i32
      %convert_element_type3A_161 = arith.extui %ge3A_160 : i1 to i32
      %cond3A_162 = arith.constant 0 : i32
      %cond3A_163 = arith.cmpi ne, %convert_element_type3A_161, %cond3A_162 : i32
      scf.if %cond3A_163 {
        %mul3A_232 = arith.constant 8 : i32
        %mul3A_233 = arith.muli %sub3A_158, %mul3A_232 : i32
        %add3A_234 = arith.addi %mul3A_12, %mul3A_233 : i32
        %dma_wait3A_235 = arith.constant 0 : i32
        %dma_wait3A_236 = arith.constant 0 : i32
        %dma_wait3A_237 = tpu.memref_slice %arg4[%div3A_156, %dma_wait3A_235, %dma_wait3A_236] : memref<50x1000x1024xf32, #tpu.memory_space<hbm>> -> memref<1x1000x1024xf32, #tpu.memory_space<hbm>>
        %dma_wait3A_238 = tpu.memref_squeeze %dma_wait3A_237 : memref<1x1000x1024xf32, #tpu.memory_space<hbm>> -> memref<1000x1024xf32, #tpu.memory_space<hbm>>
        %dma_wait3A_239 = arith.constant 0 : i32
        %dma_wait3A_240 = tpu.memref_slice %dma_wait3A_238[%add3A_234, %dma_wait3A_239] : memref<1000x1024xf32, #tpu.memory_space<hbm>> -> memref<8x1024xf32, #tpu.memory_space<hbm>>
        %dma_wait3A_241 = arith.constant 0 : i32
        %dma_wait3A_242 = arith.constant 0 : i32
        %dma_wait3A_243 = tpu.memref_slice %arg4[%div3A_156, %dma_wait3A_241, %dma_wait3A_242] : memref<50x1000x1024xf32, #tpu.memory_space<hbm>> -> memref<1x1000x1024xf32, #tpu.memory_space<hbm>>
        %dma_wait3A_244 = tpu.memref_squeeze %dma_wait3A_243 : memref<1x1000x1024xf32, #tpu.memory_space<hbm>> -> memref<1000x1024xf32, #tpu.memory_space<hbm>>
        %dma_wait3A_245 = arith.constant 0 : i32
        %dma_wait3A_246 = tpu.memref_slice %dma_wait3A_244[%add3A_234, %dma_wait3A_245] : memref<1000x1024xf32, #tpu.memory_space<hbm>> -> memref<8x1024xf32, #tpu.memory_space<hbm>>
        tpu.wait_dma2 semaphore(%arg10 : memref<!tpu.dma_semaphore, #tpu.memory_space<semaphore_mem>>) src(%arg8 : memref<8x1024xf32, #tpu.memory_space<vmem>>) dst(%dma_wait3A_246 : memref<8x1024xf32, #tpu.memory_space<hbm>>)
      } else {
      }
      %mul3A_164 = arith.constant 8 : i32
      %mul3A_165 = arith.muli %sub3A_158, %mul3A_164 : i32
      %add3A_166 = arith.constant 0 : i32
      %add3A_167 = arith.addi %mul3A_165, %add3A_166 : i32
      %mul3A_168 = arith.constant 1024 : i32
      %mul3A_169 = arith.muli %add3A_167, %mul3A_168 : i32
      %mul3A_170 = arith.constant 8 : i32
      %mul3A_171 = arith.muli %sub3A_158, %mul3A_170 : i32
      %add3A_172 = arith.constant 1 : i32
      %add3A_173 = arith.addi %mul3A_171, %add3A_172 : i32
      %mul3A_174 = arith.constant 1024 : i32
      %mul3A_175 = arith.muli %add3A_173, %mul3A_174 : i32
      %mul3A_176 = arith.constant 8 : i32
      %mul3A_177 = arith.muli %sub3A_158, %mul3A_176 : i32
      %add3A_178 = arith.constant 2 : i32
      %add3A_179 = arith.addi %mul3A_177, %add3A_178 : i32
      %mul3A_180 = arith.constant 1024 : i32
      %mul3A_181 = arith.muli %add3A_179, %mul3A_180 : i32
      %mul3A_182 = arith.constant 8 : i32
      %mul3A_183 = arith.muli %sub3A_158, %mul3A_182 : i32
      %add3A_184 = arith.constant 3 : i32
      %add3A_185 = arith.addi %mul3A_183, %add3A_184 : i32
      %mul3A_186 = arith.constant 1024 : i32
      %mul3A_187 = arith.muli %add3A_185, %mul3A_186 : i32
      %mul3A_188 = arith.constant 8 : i32
      %mul3A_189 = arith.muli %sub3A_158, %mul3A_188 : i32
      %add3A_190 = arith.constant 4 : i32
      %add3A_191 = arith.addi %mul3A_189, %add3A_190 : i32
      %mul3A_192 = arith.constant 1024 : i32
      %mul3A_193 = arith.muli %add3A_191, %mul3A_192 : i32
      %mul3A_194 = arith.constant 8 : i32
      %mul3A_195 = arith.muli %sub3A_158, %mul3A_194 : i32
      %add3A_196 = arith.constant 5 : i32
      %add3A_197 = arith.addi %mul3A_195, %add3A_196 : i32
      %mul3A_198 = arith.constant 1024 : i32
      %mul3A_199 = arith.muli %add3A_197, %mul3A_198 : i32
      %mul3A_200 = arith.constant 8 : i32
      %mul3A_201 = arith.muli %sub3A_158, %mul3A_200 : i32
      %add3A_202 = arith.constant 6 : i32
      %add3A_203 = arith.addi %mul3A_201, %add3A_202 : i32
      %mul3A_204 = arith.constant 1024 : i32
      %mul3A_205 = arith.muli %add3A_203, %mul3A_204 : i32
      %mul3A_206 = arith.constant 8 : i32
      %mul3A_207 = arith.muli %sub3A_158, %mul3A_206 : i32
      %add3A_208 = arith.constant 7 : i32
      %add3A_209 = arith.addi %mul3A_207, %add3A_208 : i32
      %mul3A_210 = arith.constant 1024 : i32
      %mul3A_211 = arith.muli %add3A_209, %mul3A_210 : i32
      %scan3A_212 = arith.constant 0 : i32
      %scan3A_213 = arith.constant 32 : i32
      %scan3A_214 = arith.addi %scan3A_212, %scan3A_213 : i32
      %scan3A_215 = arith.constant 1 : i32
      scf.for %scan3A_232 = %scan3A_212 to %scan3A_214 step %scan3A_215  : i32 {
        %mul3A_233 = arith.constant 2 : i32
        %mul3A_234 = arith.muli %scan3A_232, %mul3A_233 : i32
        %add3A_235 = arith.constant 0 : i32
        %add3A_236 = arith.addi %add3A_235, %mul3A_234 : i32
        %mul3A_237 = arith.constant 1024 : i32
        %mul3A_238 = arith.muli %div3A_156, %mul3A_237 : i32
        %add3A_239 = arith.constant 0 : i32
        %add3A_240 = arith.addi %add3A_236, %add3A_239 : i32
        %mul3A_241 = arith.constant 16 : i32
        %mul3A_242 = arith.muli %add3A_240, %mul3A_241 : i32
        %add3A_243 = arith.addi %mul3A_238, %mul3A_242 : i32
        %get3A = arith.index_cast %add3A_243 : i32 to index
        %get3A_244 = tpu.vector_load %arg6[%get3A] {strides = array<i32>} : memref<51200xi32, #tpu.memory_space<vmem>>, vector<16xi32>,
        %gather3A = tpu.memref_slice %arg5[%mul3A_169] : memref<32768xf32, #tpu.memory_space<vmem>> -> memref<1024xf32, #tpu.memory_space<vmem>>
        %gather3A_245 = tpu.vector_load_idx %gather3A[%get3A_244] : memref<1024xf32, #tpu.memory_space<vmem>>[vector<16xi32>], vector<16xf32>,
        %add3A_246 = arith.constant 0 : i32
        %add3A_247 = arith.addi %add3A_236, %add3A_246 : i32
        %mul3A_248 = arith.constant 16 : i32
        %mul3A_249 = arith.muli %add3A_247, %mul3A_248 : i32
        %swap3A = arith.constant 0 : i32
        %swap3A_250 = arith.index_cast %swap3A : i32 to index
        %swap3A_251 = arith.index_cast %mul3A_249 : i32 to index
        %swap3A_252 = tpu.vector_load %arg8[%swap3A_250, %swap3A_251] {strides = array<i32>} : memref<8x1024xf32, #tpu.memory_space<vmem>>, vector<16xf32>,
        tpu.vector_store %arg8[%swap3A_250, %swap3A_251], %gather3A_245 {strides = array<i32>} : memref<8x1024xf32, #tpu.memory_space<vmem>>, vector<16xf32>,
        %gather3A_253 = tpu.memref_slice %arg5[%mul3A_175] : memref<32768xf32, #tpu.memory_space<vmem>> -> memref<1024xf32, #tpu.memory_space<vmem>>
        %gather3A_254 = tpu.vector_load_idx %gather3A_253[%get3A_244] : memref<1024xf32, #tpu.memory_space<vmem>>[vector<16xi32>], vector<16xf32>,
        %add3A_255 = arith.constant 0 : i32
        %add3A_256 = arith.addi %add3A_236, %add3A_255 : i32
        %mul3A_257 = arith.constant 16 : i32
        %mul3A_258 = arith.muli %add3A_256, %mul3A_257 : i32
        %swap3A_259 = arith.constant 1 : i32
        %swap3A_260 = arith.index_cast %swap3A_259 : i32 to index
        %swap3A_261 = arith.index_cast %mul3A_258 : i32 to index
        %swap3A_262 = tpu.vector_load %arg8[%swap3A_260, %swap3A_261] {strides = array<i32>} : memref<8x1024xf32, #tpu.memory_space<vmem>>, vector<16xf32>,
        tpu.vector_store %arg8[%swap3A_260, %swap3A_261], %gather3A_254 {strides = array<i32>} : memref<8x1024xf32, #tpu.memory_space<vmem>>, vector<16xf32>,
        %gather3A_263 = tpu.memref_slice %arg5[%mul3A_181] : memref<32768xf32, #tpu.memory_space<vmem>> -> memref<1024xf32, #tpu.memory_space<vmem>>
        %gather3A_264 = tpu.vector_load_idx %gather3A_263[%get3A_244] : memref<1024xf32, #tpu.memory_space<vmem>>[vector<16xi32>], vector<16xf32>,
        %add3A_265 = arith.constant 0 : i32
        %add3A_266 = arith.addi %add3A_236, %add3A_265 : i32
        %mul3A_267 = arith.constant 16 : i32
        %mul3A_268 = arith.muli %add3A_266, %mul3A_267 : i32
        %swap3A_269 = arith.constant 2 : i32
        %swap3A_270 = arith.index_cast %swap3A_269 : i32 to index
        %swap3A_271 = arith.index_cast %mul3A_268 : i32 to index
        %swap3A_272 = tpu.vector_load %arg8[%swap3A_270, %swap3A_271] {strides = array<i32>} : memref<8x1024xf32, #tpu.memory_space<vmem>>, vector<16xf32>,
        tpu.vector_store %arg8[%swap3A_270, %swap3A_271], %gather3A_264 {strides = array<i32>} : memref<8x1024xf32, #tpu.memory_space<vmem>>, vector<16xf32>,
        %gather3A_273 = tpu.memref_slice %arg5[%mul3A_187] : memref<32768xf32, #tpu.memory_space<vmem>> -> memref<1024xf32, #tpu.memory_space<vmem>>
        %gather3A_274 = tpu.vector_load_idx %gather3A_273[%get3A_244] : memref<1024xf32, #tpu.memory_space<vmem>>[vector<16xi32>], vector<16xf32>,
        %add3A_275 = arith.constant 0 : i32
        %add3A_276 = arith.addi %add3A_236, %add3A_275 : i32
        %mul3A_277 = arith.constant 16 : i32
        %mul3A_278 = arith.muli %add3A_276, %mul3A_277 : i32
        %swap3A_279 = arith.constant 3 : i32
        %swap3A_280 = arith.index_cast %swap3A_279 : i32 to index
        %swap3A_281 = arith.index_cast %mul3A_278 : i32 to index
        %swap3A_282 = tpu.vector_load %arg8[%swap3A_280, %swap3A_281] {strides = array<i32>} : memref<8x1024xf32, #tpu.memory_space<vmem>>, vector<16xf32>,
        tpu.vector_store %arg8[%swap3A_280, %swap3A_281], %gather3A_274 {strides = array<i32>} : memref<8x1024xf32, #tpu.memory_space<vmem>>, vector<16xf32>,
        %gather3A_283 = tpu.memref_slice %arg5[%mul3A_193] : memref<32768xf32, #tpu.memory_space<vmem>> -> memref<1024xf32, #tpu.memory_space<vmem>>
        %gather3A_284 = tpu.vector_load_idx %gather3A_283[%get3A_244] : memref<1024xf32, #tpu.memory_space<vmem>>[vector<16xi32>], vector<16xf32>,
        %add3A_285 = arith.constant 0 : i32
        %add3A_286 = arith.addi %add3A_236, %add3A_285 : i32
        %mul3A_287 = arith.constant 16 : i32
        %mul3A_288 = arith.muli %add3A_286, %mul3A_287 : i32
        %swap3A_289 = arith.constant 4 : i32
        %swap3A_290 = arith.index_cast %swap3A_289 : i32 to index
        %swap3A_291 = arith.index_cast %mul3A_288 : i32 to index
        %swap3A_292 = tpu.vector_load %arg8[%swap3A_290, %swap3A_291] {strides = array<i32>} : memref<8x1024xf32, #tpu.memory_space<vmem>>, vector<16xf32>,
        tpu.vector_store %arg8[%swap3A_290, %swap3A_291], %gather3A_284 {strides = array<i32>} : memref<8x1024xf32, #tpu.memory_space<vmem>>, vector<16xf32>,
        %gather3A_293 = tpu.memref_slice %arg5[%mul3A_199] : memref<32768xf32, #tpu.memory_space<vmem>> -> memref<1024xf32, #tpu.memory_space<vmem>>
        %gather3A_294 = tpu.vector_load_idx %gather3A_293[%get3A_244] : memref<1024xf32, #tpu.memory_space<vmem>>[vector<16xi32>], vector<16xf32>,
        %add3A_295 = arith.constant 0 : i32
        %add3A_296 = arith.addi %add3A_236, %add3A_295 : i32
        %mul3A_297 = arith.constant 16 : i32
        %mul3A_298 = arith.muli %add3A_296, %mul3A_297 : i32
        %swap3A_299 = arith.constant 5 : i32
        %swap3A_300 = arith.index_cast %swap3A_299 : i32 to index
        %swap3A_301 = arith.index_cast %mul3A_298 : i32 to index
        %swap3A_302 = tpu.vector_load %arg8[%swap3A_300, %swap3A_301] {strides = array<i32>} : memref<8x1024xf32, #tpu.memory_space<vmem>>, vector<16xf32>,
        tpu.vector_store %arg8[%swap3A_300, %swap3A_301], %gather3A_294 {strides = array<i32>} : memref<8x1024xf32, #tpu.memory_space<vmem>>, vector<16xf32>,
        %gather3A_303 = tpu.memref_slice %arg5[%mul3A_205] : memref<32768xf32, #tpu.memory_space<vmem>> -> memref<1024xf32, #tpu.memory_space<vmem>>
        %gather3A_304 = tpu.vector_load_idx %gather3A_303[%get3A_244] : memref<1024xf32, #tpu.memory_space<vmem>>[vector<16xi32>], vector<16xf32>,
        %add3A_305 = arith.constant 0 : i32
        %add3A_306 = arith.addi %add3A_236, %add3A_305 : i32
        %mul3A_307 = arith.constant 16 : i32
        %mul3A_308 = arith.muli %add3A_306, %mul3A_307 : i32
        %swap3A_309 = arith.constant 6 : i32
        %swap3A_310 = arith.index_cast %swap3A_309 : i32 to index
        %swap3A_311 = arith.index_cast %mul3A_308 : i32 to index
        %swap3A_312 = tpu.vector_load %arg8[%swap3A_310, %swap3A_311] {strides = array<i32>} : memref<8x1024xf32, #tpu.memory_space<vmem>>, vector<16xf32>,
        tpu.vector_store %arg8[%swap3A_310, %swap3A_311], %gather3A_304 {strides = array<i32>} : memref<8x1024xf32, #tpu.memory_space<vmem>>, vector<16xf32>,
        %gather3A_313 = tpu.memref_slice %arg5[%mul3A_211] : memref<32768xf32, #tpu.memory_space<vmem>> -> memref<1024xf32, #tpu.memory_space<vmem>>
        %gather3A_314 = tpu.vector_load_idx %gather3A_313[%get3A_244] : memref<1024xf32, #tpu.memory_space<vmem>>[vector<16xi32>], vector<16xf32>,
        %add3A_315 = arith.constant 0 : i32
        %add3A_316 = arith.addi %add3A_236, %add3A_315 : i32
        %mul3A_317 = arith.constant 16 : i32
        %mul3A_318 = arith.muli %add3A_316, %mul3A_317 : i32
        %swap3A_319 = arith.constant 7 : i32
        %swap3A_320 = arith.index_cast %swap3A_319 : i32 to index
        %swap3A_321 = arith.index_cast %mul3A_318 : i32 to index
        %swap3A_322 = tpu.vector_load %arg8[%swap3A_320, %swap3A_321] {strides = array<i32>} : memref<8x1024xf32, #tpu.memory_space<vmem>>, vector<16xf32>,
        tpu.vector_store %arg8[%swap3A_320, %swap3A_321], %gather3A_314 {strides = array<i32>} : memref<8x1024xf32, #tpu.memory_space<vmem>>, vector<16xf32>,
        %mul3A_323 = arith.constant 1024 : i32
        %mul3A_324 = arith.muli %div3A_156, %mul3A_323 : i32
        %add3A_325 = arith.constant 1 : i32
        %add3A_326 = arith.addi %add3A_236, %add3A_325 : i32
        %mul3A_327 = arith.constant 16 : i32
        %mul3A_328 = arith.muli %add3A_326, %mul3A_327 : i32
        %add3A_329 = arith.addi %mul3A_324, %mul3A_328 : i32
        %get3A_330 = arith.index_cast %add3A_329 : i32 to index
        %get3A_331 = tpu.vector_load %arg6[%get3A_330] {strides = array<i32>} : memref<51200xi32, #tpu.memory_space<vmem>>, vector<16xi32>,
        %gather3A_332 = tpu.memref_slice %arg5[%mul3A_169] : memref<32768xf32, #tpu.memory_space<vmem>> -> memref<1024xf32, #tpu.memory_space<vmem>>
        %gather3A_333 = tpu.vector_load_idx %gather3A_332[%get3A_331] : memref<1024xf32, #tpu.memory_space<vmem>>[vector<16xi32>], vector<16xf32>,
        %add3A_334 = arith.constant 1 : i32
        %add3A_335 = arith.addi %add3A_236, %add3A_334 : i32
        %mul3A_336 = arith.constant 16 : i32
        %mul3A_337 = arith.muli %add3A_335, %mul3A_336 : i32
        %swap3A_338 = arith.constant 0 : i32
        %swap3A_339 = arith.index_cast %swap3A_338 : i32 to index
        %swap3A_340 = arith.index_cast %mul3A_337 : i32 to index
        %swap3A_341 = tpu.vector_load %arg8[%swap3A_339, %swap3A_340] {strides = array<i32>} : memref<8x1024xf32, #tpu.memory_space<vmem>>, vector<16xf32>,
        tpu.vector_store %arg8[%swap3A_339, %swap3A_340], %gather3A_333 {strides = array<i32>} : memref<8x1024xf32, #tpu.memory_space<vmem>>, vector<16xf32>,
        %gather3A_342 = tpu.memref_slice %arg5[%mul3A_175] : memref<32768xf32, #tpu.memory_space<vmem>> -> memref<1024xf32, #tpu.memory_space<vmem>>
        %gather3A_343 = tpu.vector_load_idx %gather3A_342[%get3A_331] : memref<1024xf32, #tpu.memory_space<vmem>>[vector<16xi32>], vector<16xf32>,
        %add3A_344 = arith.constant 1 : i32
        %add3A_345 = arith.addi %add3A_236, %add3A_344 : i32
        %mul3A_346 = arith.constant 16 : i32
        %mul3A_347 = arith.muli %add3A_345, %mul3A_346 : i32
        %swap3A_348 = arith.constant 1 : i32
        %swap3A_349 = arith.index_cast %swap3A_348 : i32 to index
        %swap3A_350 = arith.index_cast %mul3A_347 : i32 to index
        %swap3A_351 = tpu.vector_load %arg8[%swap3A_349, %swap3A_350] {strides = array<i32>} : memref<8x1024xf32, #tpu.memory_space<vmem>>, vector<16xf32>,
        tpu.vector_store %arg8[%swap3A_349, %swap3A_350], %gather3A_343 {strides = array<i32>} : memref<8x1024xf32, #tpu.memory_space<vmem>>, vector<16xf32>,
        %gather3A_352 = tpu.memref_slice %arg5[%mul3A_181] : memref<32768xf32, #tpu.memory_space<vmem>> -> memref<1024xf32, #tpu.memory_space<vmem>>
        %gather3A_353 = tpu.vector_load_idx %gather3A_352[%get3A_331] : memref<1024xf32, #tpu.memory_space<vmem>>[vector<16xi32>], vector<16xf32>,
        %add3A_354 = arith.constant 1 : i32
        %add3A_355 = arith.addi %add3A_236, %add3A_354 : i32
        %mul3A_356 = arith.constant 16 : i32
        %mul3A_357 = arith.muli %add3A_355, %mul3A_356 : i32
        %swap3A_358 = arith.constant 2 : i32
        %swap3A_359 = arith.index_cast %swap3A_358 : i32 to index
        %swap3A_360 = arith.index_cast %mul3A_357 : i32 to index
        %swap3A_361 = tpu.vector_load %arg8[%swap3A_359, %swap3A_360] {strides = array<i32>} : memref<8x1024xf32, #tpu.memory_space<vmem>>, vector<16xf32>,
        tpu.vector_store %arg8[%swap3A_359, %swap3A_360], %gather3A_353 {strides = array<i32>} : memref<8x1024xf32, #tpu.memory_space<vmem>>, vector<16xf32>,
        %gather3A_362 = tpu.memref_slice %arg5[%mul3A_187] : memref<32768xf32, #tpu.memory_space<vmem>> -> memref<1024xf32, #tpu.memory_space<vmem>>
        %gather3A_363 = tpu.vector_load_idx %gather3A_362[%get3A_331] : memref<1024xf32, #tpu.memory_space<vmem>>[vector<16xi32>], vector<16xf32>,
        %add3A_364 = arith.constant 1 : i32
        %add3A_365 = arith.addi %add3A_236, %add3A_364 : i32
        %mul3A_366 = arith.constant 16 : i32
        %mul3A_367 = arith.muli %add3A_365, %mul3A_366 : i32
        %swap3A_368 = arith.constant 3 : i32
        %swap3A_369 = arith.index_cast %swap3A_368 : i32 to index
        %swap3A_370 = arith.index_cast %mul3A_367 : i32 to index
        %swap3A_371 = tpu.vector_load %arg8[%swap3A_369, %swap3A_370] {strides = array<i32>} : memref<8x1024xf32, #tpu.memory_space<vmem>>, vector<16xf32>,
        tpu.vector_store %arg8[%swap3A_369, %swap3A_370], %gather3A_363 {strides = array<i32>} : memref<8x1024xf32, #tpu.memory_space<vmem>>, vector<16xf32>,
        %gather3A_372 = tpu.memref_slice %arg5[%mul3A_193] : memref<32768xf32, #tpu.memory_space<vmem>> -> memref<1024xf32, #tpu.memory_space<vmem>>
        %gather3A_373 = tpu.vector_load_idx %gather3A_372[%get3A_331] : memref<1024xf32, #tpu.memory_space<vmem>>[vector<16xi32>], vector<16xf32>,
        %add3A_374 = arith.constant 1 : i32
        %add3A_375 = arith.addi %add3A_236, %add3A_374 : i32
        %mul3A_376 = arith.constant 16 : i32
        %mul3A_377 = arith.muli %add3A_375, %mul3A_376 : i32
        %swap3A_378 = arith.constant 4 : i32
        %swap3A_379 = arith.index_cast %swap3A_378 : i32 to index
        %swap3A_380 = arith.index_cast %mul3A_377 : i32 to index
        %swap3A_381 = tpu.vector_load %arg8[%swap3A_379, %swap3A_380] {strides = array<i32>} : memref<8x1024xf32, #tpu.memory_space<vmem>>, vector<16xf32>,
        tpu.vector_store %arg8[%swap3A_379, %swap3A_380], %gather3A_373 {strides = array<i32>} : memref<8x1024xf32, #tpu.memory_space<vmem>>, vector<16xf32>,
        %gather3A_382 = tpu.memref_slice %arg5[%mul3A_199] : memref<32768xf32, #tpu.memory_space<vmem>> -> memref<1024xf32, #tpu.memory_space<vmem>>
        %gather3A_383 = tpu.vector_load_idx %gather3A_382[%get3A_331] : memref<1024xf32, #tpu.memory_space<vmem>>[vector<16xi32>], vector<16xf32>,
        %add3A_384 = arith.constant 1 : i32
        %add3A_385 = arith.addi %add3A_236, %add3A_384 : i32
        %mul3A_386 = arith.constant 16 : i32
        %mul3A_387 = arith.muli %add3A_385, %mul3A_386 : i32
        %swap3A_388 = arith.constant 5 : i32
        %swap3A_389 = arith.index_cast %swap3A_388 : i32 to index
        %swap3A_390 = arith.index_cast %mul3A_387 : i32 to index
        %swap3A_391 = tpu.vector_load %arg8[%swap3A_389, %swap3A_390] {strides = array<i32>} : memref<8x1024xf32, #tpu.memory_space<vmem>>, vector<16xf32>,
        tpu.vector_store %arg8[%swap3A_389, %swap3A_390], %gather3A_383 {strides = array<i32>} : memref<8x1024xf32, #tpu.memory_space<vmem>>, vector<16xf32>,
        %gather3A_392 = tpu.memref_slice %arg5[%mul3A_205] : memref<32768xf32, #tpu.memory_space<vmem>> -> memref<1024xf32, #tpu.memory_space<vmem>>
        %gather3A_393 = tpu.vector_load_idx %gather3A_392[%get3A_331] : memref<1024xf32, #tpu.memory_space<vmem>>[vector<16xi32>], vector<16xf32>,
        %add3A_394 = arith.constant 1 : i32
        %add3A_395 = arith.addi %add3A_236, %add3A_394 : i32
        %mul3A_396 = arith.constant 16 : i32
        %mul3A_397 = arith.muli %add3A_395, %mul3A_396 : i32
        %swap3A_398 = arith.constant 6 : i32
        %swap3A_399 = arith.index_cast %swap3A_398 : i32 to index
        %swap3A_400 = arith.index_cast %mul3A_397 : i32 to index
        %swap3A_401 = tpu.vector_load %arg8[%swap3A_399, %swap3A_400] {strides = array<i32>} : memref<8x1024xf32, #tpu.memory_space<vmem>>, vector<16xf32>,
        tpu.vector_store %arg8[%swap3A_399, %swap3A_400], %gather3A_393 {strides = array<i32>} : memref<8x1024xf32, #tpu.memory_space<vmem>>, vector<16xf32>,
        %gather3A_402 = tpu.memref_slice %arg5[%mul3A_211] : memref<32768xf32, #tpu.memory_space<vmem>> -> memref<1024xf32, #tpu.memory_space<vmem>>
        %gather3A_403 = tpu.vector_load_idx %gather3A_402[%get3A_331] : memref<1024xf32, #tpu.memory_space<vmem>>[vector<16xi32>], vector<16xf32>,
        %add3A_404 = arith.constant 1 : i32
        %add3A_405 = arith.addi %add3A_236, %add3A_404 : i32
        %mul3A_406 = arith.constant 16 : i32
        %mul3A_407 = arith.muli %add3A_405, %mul3A_406 : i32
        %swap3A_408 = arith.constant 7 : i32
        %swap3A_409 = arith.index_cast %swap3A_408 : i32 to index
        %swap3A_410 = arith.index_cast %mul3A_407 : i32 to index
        %swap3A_411 = tpu.vector_load %arg8[%swap3A_409, %swap3A_410] {strides = array<i32>} : memref<8x1024xf32, #tpu.memory_space<vmem>>, vector<16xf32>,
        tpu.vector_store %arg8[%swap3A_409, %swap3A_410], %gather3A_403 {strides = array<i32>} : memref<8x1024xf32, #tpu.memory_space<vmem>>, vector<16xf32>,
      }
      %scan3A_216 = arith.constant 32 : i32
      %mul3A_217 = arith.constant 8 : i32
      %mul3A_218 = arith.muli %sub3A_158, %mul3A_217 : i32
      %add3A_219 = arith.addi %mul3A_12, %mul3A_218 : i32
      %dma_start3A_220 = arith.constant 0 : i32
      %dma_start3A_221 = arith.constant 0 : i32
      %dma_start3A_222 = tpu.memref_slice %arg4[%div3A_156, %dma_start3A_220, %dma_start3A_221] : memref<50x1000x1024xf32, #tpu.memory_space<hbm>> -> memref<1x1000x1024xf32, #tpu.memory_space<hbm>>
      %dma_start3A_223 = tpu.memref_squeeze %dma_start3A_222 : memref<1x1000x1024xf32, #tpu.memory_space<hbm>> -> memref<1000x1024xf32, #tpu.memory_space<hbm>>
      %dma_start3A_224 = arith.constant 0 : i32
      %dma_start3A_225 = tpu.memref_slice %dma_start3A_223[%add3A_219, %dma_start3A_224] : memref<1000x1024xf32, #tpu.memory_space<hbm>> -> memref<8x1024xf32, #tpu.memory_space<hbm>>
      %dma_start3A_226 = arith.constant 0 : i32
      %dma_start3A_227 = arith.constant 0 : i32
      %dma_start3A_228 = tpu.memref_slice %arg4[%div3A_156, %dma_start3A_226, %dma_start3A_227] : memref<50x1000x1024xf32, #tpu.memory_space<hbm>> -> memref<1x1000x1024xf32, #tpu.memory_space<hbm>>
      %dma_start3A_229 = tpu.memref_squeeze %dma_start3A_228 : memref<1x1000x1024xf32, #tpu.memory_space<hbm>> -> memref<1000x1024xf32, #tpu.memory_space<hbm>>
      %dma_start3A_230 = arith.constant 0 : i32
      %dma_start3A_231 = tpu.memref_slice %dma_start3A_229[%add3A_219, %dma_start3A_230] : memref<1000x1024xf32, #tpu.memory_space<hbm>> -> memref<8x1024xf32, #tpu.memory_space<hbm>>
      tpu.enqueue_dma source(%arg8 : memref<8x1024xf32, #tpu.memory_space<vmem>>) target(%dma_start3A_231 : memref<8x1024xf32, #tpu.memory_space<hbm>>) target_semaphore(%arg10 : memref<!tpu.dma_semaphore, #tpu.memory_space<semaphore_mem>>)
    }
    %sub3A_34 = arith.constant 2 : i32
    %sub3A_35 = arith.subi %mul3A_16, %sub3A_34 : i32
    %add3A_36 = arith.constant 0 : i32
    %add3A_37 = arith.addi %sub3A_35, %add3A_36 : i32
    %div3A_38 = arith.divsi %add3A_37, %select_n3A : i32
    %mul3A_39 = arith.muli %div3A_38, %select_n3A : i32
    %sub3A_40 = arith.subi %add3A_37, %mul3A_39 : i32
    %mul3A_41 = arith.constant 8 : i32
    %mul3A_42 = arith.muli %sub3A_40, %mul3A_41 : i32
    %add3A_43 = arith.addi %mul3A_12, %mul3A_42 : i32
    %dma_wait3A = arith.constant 0 : i32
    %dma_wait3A_44 = arith.constant 0 : i32
    %dma_wait3A_45 = tpu.memref_slice %arg4[%div3A_38, %dma_wait3A, %dma_wait3A_44] : memref<50x1000x1024xf32, #tpu.memory_space<hbm>> -> memref<1x1000x1024xf32, #tpu.memory_space<hbm>>
    %dma_wait3A_46 = tpu.memref_squeeze %dma_wait3A_45 : memref<1x1000x1024xf32, #tpu.memory_space<hbm>> -> memref<1000x1024xf32, #tpu.memory_space<hbm>>
    %dma_wait3A_47 = arith.constant 0 : i32
    %dma_wait3A_48 = tpu.memref_slice %dma_wait3A_46[%add3A_43, %dma_wait3A_47] : memref<1000x1024xf32, #tpu.memory_space<hbm>> -> memref<8x1024xf32, #tpu.memory_space<hbm>>
    %dma_wait3A_49 = arith.constant 0 : i32
    %dma_wait3A_50 = arith.constant 0 : i32
    %dma_wait3A_51 = tpu.memref_slice %arg4[%div3A_38, %dma_wait3A_49, %dma_wait3A_50] : memref<50x1000x1024xf32, #tpu.memory_space<hbm>> -> memref<1x1000x1024xf32, #tpu.memory_space<hbm>>
    %dma_wait3A_52 = tpu.memref_squeeze %dma_wait3A_51 : memref<1x1000x1024xf32, #tpu.memory_space<hbm>> -> memref<1000x1024xf32, #tpu.memory_space<hbm>>
    %dma_wait3A_53 = arith.constant 0 : i32
    %dma_wait3A_54 = tpu.memref_slice %dma_wait3A_52[%add3A_43, %dma_wait3A_53] : memref<1000x1024xf32, #tpu.memory_space<hbm>> -> memref<8x1024xf32, #tpu.memory_space<hbm>>
    tpu.wait_dma2 semaphore(%arg9 : memref<!tpu.dma_semaphore, #tpu.memory_space<semaphore_mem>>) src(%arg7 : memref<8x1024xf32, #tpu.memory_space<vmem>>) dst(%dma_wait3A_54 : memref<8x1024xf32, #tpu.memory_space<hbm>>)
    %sub3A_55 = arith.constant 2 : i32
    %sub3A_56 = arith.subi %mul3A_16, %sub3A_55 : i32
    %add3A_57 = arith.constant 1 : i32
    %add3A_58 = arith.addi %sub3A_56, %add3A_57 : i32
    %div3A_59 = arith.divsi %add3A_58, %select_n3A : i32
    %mul3A_60 = arith.muli %div3A_59, %select_n3A : i32
    %sub3A_61 = arith.subi %add3A_58, %mul3A_60 : i32
    %mul3A_62 = arith.constant 8 : i32
    %mul3A_63 = arith.muli %sub3A_61, %mul3A_62 : i32
    %add3A_64 = arith.addi %mul3A_12, %mul3A_63 : i32
    %dma_wait3A_65 = arith.constant 0 : i32
    %dma_wait3A_66 = arith.constant 0 : i32
    %dma_wait3A_67 = tpu.memref_slice %arg4[%div3A_59, %dma_wait3A_65, %dma_wait3A_66] : memref<50x1000x1024xf32, #tpu.memory_space<hbm>> -> memref<1x1000x1024xf32, #tpu.memory_space<hbm>>
    %dma_wait3A_68 = tpu.memref_squeeze %dma_wait3A_67 : memref<1x1000x1024xf32, #tpu.memory_space<hbm>> -> memref<1000x1024xf32, #tpu.memory_space<hbm>>
    %dma_wait3A_69 = arith.constant 0 : i32
    %dma_wait3A_70 = tpu.memref_slice %dma_wait3A_68[%add3A_64, %dma_wait3A_69] : memref<1000x1024xf32, #tpu.memory_space<hbm>> -> memref<8x1024xf32, #tpu.memory_space<hbm>>
    %dma_wait3A_71 = arith.constant 0 : i32
    %dma_wait3A_72 = arith.constant 0 : i32
    %dma_wait3A_73 = tpu.memref_slice %arg4[%div3A_59, %dma_wait3A_71, %dma_wait3A_72] : memref<50x1000x1024xf32, #tpu.memory_space<hbm>> -> memref<1x1000x1024xf32, #tpu.memory_space<hbm>>
    %dma_wait3A_74 = tpu.memref_squeeze %dma_wait3A_73 : memref<1x1000x1024xf32, #tpu.memory_space<hbm>> -> memref<1000x1024xf32, #tpu.memory_space<hbm>>
    %dma_wait3A_75 = arith.constant 0 : i32
    %dma_wait3A_76 = tpu.memref_slice %dma_wait3A_74[%add3A_64, %dma_wait3A_75] : memref<1000x1024xf32, #tpu.memory_space<hbm>> -> memref<8x1024xf32, #tpu.memory_space<hbm>>
    tpu.wait_dma2 semaphore(%arg10 : memref<!tpu.dma_semaphore, #tpu.memory_space<semaphore_mem>>) src(%arg8 : memref<8x1024xf32, #tpu.memory_space<vmem>>) dst(%dma_wait3A_76 : memref<8x1024xf32, #tpu.memory_space<hbm>>)
    return
  }
}

</mosaic_0001>

<sc_bundles>
// kernel: kernel.3.cloned.1.call-start
scs
__scs_entry_jumppad:
0x0: {  	(pc) =	sbr.rel $0x88, $3  }
0x1: {  	(tag) =	ssettag $0x0;
	lr =	simm.s32 $0x1  }
0x2: {  	[smem:$0x3F9F] =	sst lr;
	_ =	strace $0xD0000000  }
0x3: {  	_ = 	snop  }
0x4: {  	_ = 	snop  }
0x5: {  	_ = 	snop  }
0x6: {  	_ = 	snop  }
0x7: {  	_ = 	snop  }
__scs_overlays_trampoline_lowered:
0x8: {  	[smem:$0x3FAE] =	sst s0  }
0x9: {  	[smem:$0x3FAF] =	sst s1  }
0xa: {  	[smem:$0x3FB0] =	sst s2  }
0xb: {  	[smem:$0x3FB1] =	sst s3  }
0xc: {  	[smem:$0x3FB2] =	sst s4  }
0xd: {  	[smem:$0x3FB3] =	sst s5  }
0xe: {  	[smem:$0x3FB4] =	sst s6  }
0xf: {  	[smem:$0x3FB5] =	sst s7  }
0x10: {  	[smem:$0x3FB6] =	sst s8  }
0x11: {  	[smem:$0x3FB7] =	sst s9;
	s0 =	simm.s32 @!p0 $0x0  }
0x12: {  	s1 =	sld [smem:$0x3F9D];
	s0 =	simm.s32 @p0 $0x1  }
0x13: {  	[smem:$0x3FB8] =	sst s0;
	s0 =	simm.s32 @!p1 $0x0  }
0x14: {  	s2 =	sld [smem:$0x3F9C];
	s0 =	simm.s32 @p1 $0x1  }
0x15: {  	[smem:$0x3FB9] =	sst s0;
	s0 =	simm.s32 @!p2 $0x0  }
0x16: {  	s3 =	sld [smem:$0x3FDB];
	s0 =	simm.s32 @p2 $0x1  }
0x17: {  	s4 =	simm.s32 $0x1BF5;
	[smem:$0x3FBB] =	sst s0  }
0x18: {  	s0 =	sld [smem:$0x3F9E];
	_ =	swait.ge [sflag:s4], $0x0  }
0x19: {  	s7 =	sld [smem:$0x3F9F]  }
0x1a: {  	s8 =	sadd.s32 $0xFFFFE003, lr  }
0x1b: {  	s9 =	sadd.s32 $0xFFFFFEF7, lr;
	s5 =	simm.s32 $0xFFFFFFFF;
	p2 =	slt.u32 s8, $0xFFFFF086  }
0x1c: {  	p1 =	slt.u32 s9, $0xF7A;
	s5 =	simm.s32 @!p2 $0x0  }
0x1d: {  	s5 =	simm.s32 @p1 $0x1;
	p0 =	seq.s32 s7, s2  }
0x1e: {  	s7 =	smul.u32 @!p0 $0xF7A, s2;
	p2 =	seq.s32 @!p0 s5, $0x0  }
0x1f: {  	s9 =	smul.u32 $0xF7A, s1;
	s8 =	simm.s32 @!p0 $0x1BF5;
	p2 =	por !p2, p0  }
0x20: {  	[sflag:s8] =	ssyncset.s32 @!p0 $0xFFFFF086;
	s6 =	sadd.s32 @!p0 s3, s7;
	s7 =	simm.s32 @!p0 $0x108  }
0x21: {  	s3 =	sadd.s32 s3, s9;
	s6 =	sadd.s32 @!p0 $0x88, s6;
	s7 =	simm.s32 @p2 $0x1082  }
0x22: {  	[simem:s7], [sflag:s8] =	dma.local @!p0 [hbm:s6], $0xF7A  }
0x23: {  	s9 =	sor.u32 $0xD0000000, s2;
	s6 =	simm.s32 $0x108;
	_ =	swait.ge @!p0 [sflag:s8], $0x0  }
0x24: {  	s3 =	sadd.s32 $0x88, s3;
	s6 =	simm.s32 @!p1 $0x1082;
	[sflag:s4] =	ssyncset.s32 $0xFFFFF086  }
0x25: {  	[simem:s6], [sflag:s4] =	dma.local [hbm:s3], $0xF7A  }
0x26: {  	[smem:$0x3F9F] =	sst s1;
	(tag) =	ssettag s2;
	_ =	strace s9  }
0x27: {  	s1 =	sld [smem:$0x3FAF]  }
0x28: {  	s2 =	sld [smem:$0x3FB0]  }
0x29: {  	s4 =	sld [smem:$0x3FB2]  }
0x2a: {  	p0 =	seq.s32 s5, $0x0;
	s5 =	sld [smem:$0x3FB3]  }
0x2b: {  	s6 =	sld [smem:$0x3FB4]  }
0x2c: {  	s7 =	sld [smem:$0x3FB5]  }
0x2d: {  	s3 =	simm.s32 $0x108;
	s8 =	sld [smem:$0x3FB6]  }
0x2e: {  	s3 =	simm.s32 @!p0 $0x1082;
	s9 =	sld [smem:$0x3FB7]  }
0x2f: {  	lr =	sadd.s32 s0, s3;
	s0 =	sld [smem:$0x3FAE]  }
0x30: {  	s3 =	sld [smem:$0x3FB1]  }
0x31: {  	[smem:$0x3FBA] =	sst s10  }
0x32: {  	s10 =	sld [smem:$0x3FB8];
	_ =	sdelay $0x3  }
0x33: {  	p0 =	seq.s32 s10, $0x1;
	s10 =	sld [smem:$0x3FBA];
	_ =	sdelay $0x3  }
0x34: {  	[smem:$0x3FBA] =	sst s10  }
0x35: {  	s10 =	sld [smem:$0x3FB9];
	_ =	sdelay $0x3  }
0x36: {  	p1 =	seq.s32 s10, $0x1;
	s10 =	sld [smem:$0x3FBA];
	_ =	sdelay $0x3  }
0x37: {  	[smem:$0x3FBA] =	sst s10  }
0x38: {  	s10 =	sld [smem:$0x3FBB]  }
0x39: {  	_ = 	snop;
	(pc) =	sbr.ind lr, $3  }
0x3a: {  	_ = 	snop  }
0x3b: {  	_ = 	snop  }
0x3c: {  	p2 =	seq.s32 s10, $0x1;
	s10 =	sld [smem:$0x3FBA]  }
0x3d: {  	_ =	shalt  }
0x3e: {  	_ =	shalt  }
0x3f: {  	_ =	shalt  }
0x40: {  	_ =	shalt  }
0x41: {  	_ =	shalt  }
0x42: {  	_ =	shalt  }
0x43: {  	_ =	shalt  }
0x44: {  	_ =	shalt  }
0x45: {  	_ =	shalt  }
0x46: {  	_ =	shalt  }
0x47: {  	_ =	shalt  }
0x48: {  	_ =	shalt  }
0x49: {  	_ =	shalt  }
0x4a: {  	_ =	shalt  }
0x4b: {  	_ =	shalt  }
0x4c: {  	_ =	shalt  }
0x4d: {  	_ =	shalt  }
0x4e: {  	_ =	shalt  }
0x4f: {  	_ =	shalt  }
0x50: {  	_ =	shalt  }
0x51: {  	_ =	shalt  }
0x52: {  	_ =	shalt  }
0x53: {  	_ =	shalt  }
0x54: {  	_ =	shalt  }
0x55: {  	_ =	shalt  }
0x56: {  	_ =	shalt  }
0x57: {  	_ =	shalt  }
0x58: {  	_ =	shalt  }
0x59: {  	_ =	shalt  }
0x5a: {  	_ =	shalt  }
0x5b: {  	_ =	shalt  }
0x5c: {  	_ =	shalt  }
0x5d: {  	_ =	shalt  }
0x5e: {  	_ =	shalt  }
0x5f: {  	_ =	shalt  }
0x60: {  	_ =	shalt  }
0x61: {  	_ =	shalt  }
0x62: {  	_ =	shalt  }
0x63: {  	_ =	shalt  }
0x64: {  	_ =	shalt  }
0x65: {  	_ =	shalt  }
0x66: {  	_ =	shalt  }
0x67: {  	_ =	shalt  }
0x68: {  	_ =	shalt  }
0x69: {  	_ =	shalt  }
0x6a: {  	_ =	shalt  }
0x6b: {  	_ =	shalt  }
0x6c: {  	_ =	shalt  }
0x6d: {  	_ =	shalt  }
0x6e: {  	_ =	shalt  }
0x6f: {  	_ =	shalt  }
0x70: {  	_ =	shalt  }
0x71: {  	_ =	shalt  }
0x72: {  	_ =	shalt  }
0x73: {  	_ =	shalt  }
0x74: {  	_ =	shalt  }
0x75: {  	_ =	shalt  }
0x76: {  	_ =	shalt  }
0x77: {  	_ =	shalt  }
0x78: {  	_ =	shalt  }
0x79: {  	_ =	shalt  }
0x7a: {  	_ =	shalt  }
0x7b: {  	_ =	shalt  }
0x7c: {  	_ =	shalt  }
0x7d: {  	_ =	shalt  }
0x7e: {  	_ =	shalt  }
0x7f: {  	_ =	shalt  }
0x80: {  	_ =	shalt  }
0x81: {  	_ =	shalt  }
0x82: {  	_ =	shalt  }
0x83: {  	_ =	shalt  }
0x84: {  	_ =	shalt  }
0x85: {  	_ =	shalt  }
0x86: {  	_ =	shalt  }
0x87: {  	_ =	shalt  }
.Lfunc_end0:
.L_simem_size_0:
called_computation_lowered:
.L_overlay_start_0:
0x88: {  	s2 =	sld [smem:$0x3FD9]  }
0x89: {  	s3 =	sld [smem:$0x3FFE];
	_ =	sdelay $0x1  }
0x8a: {  	s1 =	srdreg.scid  }
0x8b: {  	s0 =	sand.u32 $0x1, s1  }
0x8c: {  	s17 =	sshll.u32 s0, $0xA;
	s2 =	sadd.s32 s3, s2  }
0x8d: {  	s2 =	sadd.s32 s2, s17  }
0x8e: {  	[smem:$0x3FC6] =	sst s2  }
0x8f: {  	_ = 	snop  }
0x90: {  	s2 =	sld [smem:$0x3FD0];
	(tm) =	ssettm $0x1  }
0x91: {  	s18 =	sld [smem:$0x3FFB];
	_ =	sdelay $0x3  }
0x92: {  	_ =	strace s18  }
0x93: {  	s3 =	sld [smem:$0x3FFC];
	_ =	sdelay $0x3  }
0x94: {  	_ =	strace s3  }
0x95: {  	s3 =	sld [smem:$0x3FFD];
	_ =	sdelay $0x3  }
0x96: {  	_ =	strace s3  }
0x97: {  	_ =	strace $0x8FFFFFFF  }
0x98: {  	s19 =	sld [smem:$0x3FDB];
	_ =	sdelay $0x1  }
0x99: {  	s4 =	simm.s32 $_scs_section_size  }
0x9a: {  	s5 =	simm.s32 $_size__tile_overlayer_lowered;
	s6 =	simm.s32 $_tile_overlayer_lowered  }
0x9b: {  	s22 =	simm.s32 $0x1BFF;
	s21 =	sshll.u32 s6, $0x1;
	s3 =	sadd.s32 s4, s19  }
0x9c: {  	s7 =	simm.s32 $0x0;
	s20 =	sshll.u32 s5, $0x1;
	s5 =	sadd.s32 s21, s3  }
0x9d: {  	[timem:s7], [sflag:s22] =	dma.local [hbm:s5], s20  }
0x9e: {  	_ =	swait.ge [sflag:s22], s20  }
0x9f: {  	s4 =	ssub.s32 $0x0, s20;
	[sflag:s22] =	ssyncset.done $0x0  }
0xa0: {  	[sflag:s22] =	ssyncadd.s32 s4;
	_ =	sdelay $0x1  }
0xa1: {  	s23 =	simm.s32 $0x1B8B  }
0xa2: {  	_ =	swait.ge [sflag:s23], $0x1  }
0xa3: {  	[sflag:s23] =	ssyncset.done $0x0  }
0xa4: {  	s25 =	simm.s32 $0x1B8E;
	s24 =	sld [smem:$0x3FFE];
	[sflag:s23] =	ssyncadd.s32 $0xFFFFFFFF  }
0xa5: {  	s26 =	simm.s32 $execute0_lowered;
	[smem:$0x3FD2] =	sst s25  }
0xa6: {  	s5 =	sshll.u32 s26, $0x1;
	_ =	strace $0x80000046;
	[dreg:$0x1] =	wrdreg $0xFFFFFFFF  }
0xa7: {  	s28 =	simm.s32 $_size_execute0_lowered;
	s3 =	sadd.s32 s3, s5;
	[dreg:$0x0] =	wrdreg $0x0  }
0xa8: {  	s5 =	sshll.u32 s28, $0x1;
	[dreg:$0x2] =	wrdreg s3  }
0xa9: {  	[dreg:$0x3] =	wrdreg s5  }
0xaa: {  	[dreg:$0x4] =	wrdreg $0xC0  }
0xab: {  	_ =	task [dreg:s7], $0x5FFFF  }
0xac: {  	[dreg:$0x1] =	wrdreg $0xFFFFFFFF  }
0xad: {  	[dreg:$0x0] =	wrdreg $0x60  }
0xae: {  	[dreg:$0x2] =	wrdreg s24  }
0xaf: {  	[dreg:$0x3] =	wrdreg s2  }
0xb0: {  	[dreg:$0x4] =	wrdreg $0x9  }
0xb1: {  	_ =	task.clear_ibuf [dreg:s7], $0x5FFFF;
	_ =	strace $0x90000046  }
0xb2: {  	s29 =	simm.s32 $0x9;
	_ =	strace $0x80000048  }
0xb3: {  	_ =	swait.ge [sflag:s29], $0x1  }
0xb4: {  	[sflag:s29] =	ssyncadd.s32 $0xFFFFFFFF  }
0xb5: {  	_ =	strace $0x90000048  }
0xb6: {  	_ =	sfence  }
0xb7: {  	s30 =	sld [smem:$0x0];
	_ =	sdelay $0x2  }
0xb8: {  	s31 =	sshll.u32 s1, $0xD;
	s1 =	sshrl.u32 s1, $0x2  }
0xb9: {  	s3 =	sand.u32 $0x4000, s31;
	s1 =	sadd.s32 s1, s30  }
0xba: {  	s0 =	sor.u32 s3, s0;
	s1 =	sshll.u32 s1, $0x11  }
0xbb: {  	s0 =	sor.u32 s1, s0  }
0xbc: {  	s0 =	sadd.s32 $0x8F2B, s0  }
0xbd: {  	[sflag:s0] =	ssyncadd.remote.s32 $0x1  }
0xbe: {  	_ =	sfence.sel $0xFFFF  }
0xbf: {  	[dreg:$0x0] =	wrdreg $0xFFFFFFFF;
	(pc) =	sbr.abs _section_cstart, $3  }
0xc0: {  	[dreg:$0x1] =	wrdreg $0xFFFFFFFF  }
0xc1: {  	_ =	task.clear_ibuf [dreg:s7], $0x2FFFF;
	_ =	strace $0x9FFFFFFF  }
0xc2: {  	(tm) =	ssettm $0x7FFFFFFF  }
0xc3: {  	_ =	shalt  }
tec
execute0_lowered:
.L_overlay_start_1:
0x0: {  	(tag) =	ssettag $0x1  }
0x1: {  	s0 =	srdreg.scid;
	s1 =	stileid.u32  }
0x2: {  	s5 =	rddreg [dreg:$0x0];
	s0 =	sand.u32 $0x1, s0;
	s1 =	sshll.u32 s1, $0x1  }
0x3: {  	s3 =	rddreg [dreg:$0x1];
	s1 =	sor.u32 s0, s1  }
0x4: {  	s6 =	simm.s32 $0x3;
	s7 =	simm.s32 $0x3;
	s2 =	smul.u32 $0x3, s1  }
0x5: {  	s12 =	simm.s32 $0x14800;
	s13 =	simm.s32 $0x16800;
	s0 =	ssub.s32 $0x2, s0  }
0x6: {  	p0 =	sgt.u32 s1, $0x1C;
	s4 =	sadd.s32 $0x1D, s2;
	s2 =	sshll.u32 s1, $0x2  }
0x7: {  	s31 =	sshrl.u32 s0, $0x1;
	s2 =	smov.u32 @p0 s4;
	s4 =	simm.s32 $0x0  }
0x8: {  	s0 =	ssub.s32 s0, s31;
	s30 =	sshll.u32 s2, $0xA;
	[smem:$0x7FF] =	sst s4  }
0x9: {  	s0 =	smax.u32 s0, $0x1;
	s1 =	sand.u32 $0x1FFFFC00, s30;
	_ =	strace $0x80000047  }
0xa: {  	[dreg:$0x7] =	wrdreg s0;
	s1 =	sadd.s32 s1, s5;
	s5 =	sadd.s32 $0x400, s5  }
0xb: {  	s6 =	simm.s32 @!p0 $0x4;
	[dreg:$0x5] =	wrdreg s5;
	s1 =	sadd.s32 $0x1E00, s1  }
0xc: {  	s16 =	simm.s32 $0x0;
	s9 =	smul.u32 $0x19, s6;
	[dreg:$0x6] =	wrdreg s1  }
.LBB2_1:
0xd: {  	s0 =	rddreg [dreg:$0x6]  }
0xe: {  	[tilespmem:s4], [sflag:$0x3] =	stream.linear.gather [hbm4b:s0+s4], $0x8000, $0x38;
	[tilespmem:$0x18800] =	vst v63  }
0xf: {  	_ =	swait.ge [sflag:s7], $0x8000  }
0x10: {  	[sflag:s7] =	ssyncset.done $0x0  }
0x11: {  	s1 =	simm.s32 $0x8000;
	s31 =	rddreg [dreg:$0x5];
	[sflag:s7] =	ssyncadd.s32 $0xFFFF8000  }
0x12: {  	[tilespmem:s1], [sflag:$0x3] =	stream.linear.gather [hbm4b:s31+s4], $0xC800, $0x38;
	[tilespmem:$0x18800] =	vst v63  }
0x13: {  	_ =	swait.ge [sflag:s7], $0xC800  }
0x14: {  	[sflag:s7] =	ssyncset.done $0x0  }
0x15: {  	s17 =	simm.s32 $0x0;
	[sflag:s7] =	ssyncadd.s32 $0xFFFF3800  }
.LBB2_2:
0x16: {  	s20 =	sshll.u32 s17, $0x1  }
0x17: {  	(drf) =	sdivrem.u32 s20, s6;
	_ =	sdelay $0x8  }
0x18: {  	s18 =	spop (drf)  }
0x19: {  	s0 =	sshll.u32 s18, $0xC  }
0x1a: {  	p0 =	seq.s32 s17, $0x0;
	s0 =	sshra.s32 s0, $0x2  }
0x1b: {  	s1 =	simm.s32 @!p0 $0x1;
	s19 =	spop (drf);
	s0 =	sadd.s32 $0x8000, s0  }
0x1c: {  	s30 =	simm.s32 $0x0;
	_ =	swait.ge @!p0 [sflag:s1], $0x2000;
	[dreg:$0x3] =	wrdreg s0  }
0x1d: {  	s5 =	sand.u32 $0x380, s30;
	s0 =	rddreg [dreg:$0x3]  }
0x1e: {  	s8 =	sand.u32 $0x60, s30;
	[sflag:s1] =	ssyncset.done @!p0 $0x0;
	s0 =	sadd.s32 s5, s0  }
0x1f: {  	[sflag:s1] =	ssyncadd.s32 @!p0 $0xFFFFE000;
	s23 =	sadd.s32 s8, s0  }
0x20: {  	v0 =	vld [tilespmem:s23+$0x0];
	_ =	sdelay $0x5  }
0x21: {  	s24 =	sshll.u32 s19, $0xD  }
0x22: {  	s21 =	sand.u32 $0x3FFFE000, s24  }
0x23: {  	v1 =	vld.idx.msk [tilespmem:v0+s21+$0x0], $0xffff;
	_ =	sdelay $0x1  }
0x24: {  	s25 =	sand.u32 $0x1C00, s30  }
0x25: {  	s1 =	sadd.s32 $0x14800, s25  }
0x26: {  	s26 =	sor.u32 s8, s1  }
0x27: {  	s22 =	sor.u32 $0x400, s21;
	[tilespmem:s26+$0x0] =	vst v1  }
0x28: {  	v1 =	vld.idx.msk [tilespmem:v0+s22+$0x0], $0xffff;
	_ =	sdelay $0x4  }
0x29: {  	s23 =	sor.u32 $0x800, s21;
	[tilespmem:s26+$0x80] =	vst v1  }
0x2a: {  	v1 =	vld.idx.msk [tilespmem:v0+s23+$0x0], $0xffff;
	_ =	sdelay $0x4  }
0x2b: {  	s24 =	sor.u32 $0xC00, s21;
	[tilespmem:s26+$0x100] =	vst v1  }
0x2c: {  	v1 =	vld.idx.msk [tilespmem:v0+s24+$0x0], $0xffff;
	_ =	sdelay $0x4  }
0x2d: {  	s25 =	sor.u32 $0x1000, s21;
	[tilespmem:s26+$0x180] =	vst v1  }
0x2e: {  	v1 =	vld.idx.msk [tilespmem:v0+s25+$0x0], $0xffff;
	_ =	sdelay $0x4  }
0x2f: {  	s28 =	sor.u32 $0x1400, s21;
	[tilespmem:s26+$0x200] =	vst v1  }
0x30: {  	v1 =	vld.idx.msk [tilespmem:v0+s28+$0x0], $0xffff;
	_ =	sdelay $0x4  }
0x31: {  	s29 =	sor.u32 $0x1800, s21;
	[tilespmem:s26+$0x280] =	vst v1  }
0x32: {  	v1 =	vld.idx.msk [tilespmem:v0+s29+$0x0], $0xffff  }
0x33: {  	s8 =	sand.u32 $0x3, s30  }
0x34: {  	s5 =	sshll.u32 s8, $0x5  }
0x35: {  	s5 =	sadd.s32 $0x0, s5  }
0x36: {  	s5 =	sor.u32 $0x300, s5  }
0x37: {  	s26 =	sor.u32 $0x1C00, s21;
	[tilespmem:s5+$0x14800] =	vst v1  }
0x38: {  	v0 =	vld.idx.msk [tilespmem:v0+s26+$0x0], $0xffff;
	_ =	sdelay $0x2  }
0x39: {  	s10 =	sor.u32 s30, s30;
	s8 =	simm.s32 $0x10  }
0x3a: {  	s5 =	sor.u32 $0x380, s10;
	s10 =	sand.u32 $0x70, s8  }
0x3b: {  	s0 =	sadd.s32 s10, s0;
	[tilespmem:s5+$0x14800] =	vst v0  }
0x3c: {  	v0 =	vld [tilespmem:s0+$0x0];
	_ =	sdelay $0x7  }
0x3d: {  	v1 =	vld.idx.msk [tilespmem:v0+s21+$0x0], $0xffff;
	_ =	sdelay $0x3  }
0x3e: {  	s11 =	sor.u32 s10, s1  }
0x3f: {  	[tilespmem:s11+$0x0] =	vst v1  }
0x40: {  	v1 =	vld.idx.msk [tilespmem:v0+s22+$0x0], $0xffff;
	_ =	sdelay $0x4  }
0x41: {  	[tilespmem:s11+$0x80] =	vst v1  }
0x42: {  	v1 =	vld.idx.msk [tilespmem:v0+s23+$0x0], $0xffff;
	_ =	sdelay $0x4  }
0x43: {  	[tilespmem:s11+$0x100] =	vst v1  }
0x44: {  	v1 =	vld.idx.msk [tilespmem:v0+s24+$0x0], $0xffff;
	_ =	sdelay $0x4  }
0x45: {  	[tilespmem:s11+$0x180] =	vst v1  }
0x46: {  	v1 =	vld.idx.msk [tilespmem:v0+s25+$0x0], $0xffff;
	_ =	sdelay $0x4  }
0x47: {  	[tilespmem:s11+$0x200] =	vst v1  }
0x48: {  	v1 =	vld.idx.msk [tilespmem:v0+s28+$0x0], $0xffff;
	_ =	sdelay $0x4  }
0x49: {  	[tilespmem:s11+$0x280] =	vst v1  }
0x4a: {  	s14 =	sand.u32 $0x7, s30;
	v1 =	vld.idx.msk [tilespmem:v0+s29+$0x0], $0xffff  }
0x4b: {  	s0 =	sshll.u32 s14, $0x4  }
0x4c: {  	s0 =	sadd.s32 $0x0, s0  }
0x4d: {  	s31 =	simm.s32 $0x2;
	s1 =	simm.s32 $0x20;
	s0 =	sadd.s32 $0x10, s0  }
0x4e: {  	s10 =	simm.s32 $0x40;
	s15 =	sand.u32 $0x380, s1;
	s11 =	sor.u32 $0x300, s0  }
0x4f: {  	s5 =	rddreg [dreg:$0x3];
	s14 =	sor.u32 s8, s30;
	s8 =	sand.u32 $0x60, s1;
	[tilespmem:s11+$0x14800] =	vst v1  }
0x50: {  	s5 =	sadd.s32 s15, s5;
	s14 =	sor.u32 $0x380, s14;
	s0 =	simm.s32 $0x1;
	v0 =	vld.idx.msk [tilespmem:v0+s26+$0x0], $0xffff  }
.LBB2_3:
0x51: {  	_ =	sdelay $0x3  }
0x52: {  	s15 =	sadd.s32 s8, s5;
	[tilespmem:s14+$0x14800] =	vst v0  }
0x53: {  	v0 =	vld [tilespmem:s15+$0x0];
	_ =	sdelay $0x7  }
0x54: {  	v1 =	vld.idx.msk [tilespmem:v0+s21+$0x0], $0xffff  }
0x55: {  	s30 =	sadd.s32 $0x100, s30  }
0x56: {  	s11 =	sadd.s32 $0x20, s10;
	s15 =	sand.u32 $0x1C00, s30  }
0x57: {  	p1 =	sne.s32 s10, $0x3E0;
	s14 =	smov.u32 s10;
	s10 =	sadd.s32 $0x14800, s15  }
0x58: {  	s15 =	sor.u32 s8, s10  }
0x59: {  	[tilespmem:s15+$0x0] =	vst v1  }
0x5a: {  	v1 =	vld.idx.msk [tilespmem:v0+s22+$0x0], $0xffff;
	_ =	sdelay $0x4  }
0x5b: {  	[tilespmem:s15+$0x80] =	vst v1  }
0x5c: {  	v1 =	vld.idx.msk [tilespmem:v0+s23+$0x0], $0xffff;
	_ =	sdelay $0x4  }
0x5d: {  	[tilespmem:s15+$0x100] =	vst v1  }
0x5e: {  	v1 =	vld.idx.msk [tilespmem:v0+s24+$0x0], $0xffff;
	_ =	sdelay $0x4  }
0x5f: {  	[tilespmem:s15+$0x180] =	vst v1  }
0x60: {  	v1 =	vld.idx.msk [tilespmem:v0+s25+$0x0], $0xffff;
	_ =	sdelay $0x4  }
0x61: {  	[tilespmem:s15+$0x200] =	vst v1  }
0x62: {  	v1 =	vld.idx.msk [tilespmem:v0+s28+$0x0], $0xffff;
	_ =	sdelay $0x4  }
0x63: {  	[tilespmem:s15+$0x280] =	vst v1  }
0x64: {  	v1 =	vld.idx.msk [tilespmem:v0+s29+$0x0], $0xffff  }
0x65: {  	s15 =	sand.u32 $0x3, s0  }
0x66: {  	s8 =	sshll.u32 s15, $0x5  }
0x67: {  	s8 =	sadd.s32 s8, s30  }
0x68: {  	s8 =	sor.u32 $0x300, s8  }
0x69: {  	[tilespmem:s8+$0x14800] =	vst v1  }
0x6a: {  	v0 =	vld.idx.msk [tilespmem:v0+s26+$0x0], $0xffff;
	_ =	sdelay $0x2  }
0x6b: {  	s15 =	sor.u32 s1, s30;
	s8 =	sadd.s32 $0x10, s1  }
0x6c: {  	s1 =	smov.u32 s14;
	s14 =	sor.u32 $0x380, s15;
	s15 =	sand.u32 $0x70, s8  }
0x6d: {  	[tilespmem:s14+$0x14800] =	vst v0;
	s14 =	sadd.s32 s15, s5  }
0x6e: {  	v0 =	vld [tilespmem:s14+$0x0];
	_ =	sdelay $0x7  }
0x6f: {  	v1 =	vld.idx.msk [tilespmem:v0+s21+$0x0], $0xffff;
	_ =	sdelay $0x3  }
0x70: {  	s14 =	sor.u32 s15, s10  }
0x71: {  	[tilespmem:s14+$0x0] =	vst v1  }
0x72: {  	v1 =	vld.idx.msk [tilespmem:v0+s22+$0x0], $0xffff;
	_ =	sdelay $0x4  }
0x73: {  	[tilespmem:s14+$0x80] =	vst v1  }
0x74: {  	v1 =	vld.idx.msk [tilespmem:v0+s23+$0x0], $0xffff;
	_ =	sdelay $0x4  }
0x75: {  	[tilespmem:s14+$0x100] =	vst v1  }
0x76: {  	v1 =	vld.idx.msk [tilespmem:v0+s24+$0x0], $0xffff;
	_ =	sdelay $0x4  }
0x77: {  	[tilespmem:s14+$0x180] =	vst v1  }
0x78: {  	v1 =	vld.idx.msk [tilespmem:v0+s25+$0x0], $0xffff;
	_ =	sdelay $0x4  }
0x79: {  	[tilespmem:s14+$0x200] =	vst v1  }
0x7a: {  	v1 =	vld.idx.msk [tilespmem:v0+s28+$0x0], $0xffff;
	_ =	sdelay $0x4  }
0x7b: {  	[tilespmem:s14+$0x280] =	vst v1  }
0x7c: {  	s15 =	sand.u32 $0x7, s31;
	v1 =	vld.idx.msk [tilespmem:v0+s29+$0x0], $0xffff  }
0x7d: {  	s5 =	sshll.u32 s15, $0x4  }
.Ltmp0:
0x7e: {  	s5 =	sadd.s32 s30, s5;
	(pc) =	sbr.rel @p1 .LBB2_3-.Ltmp0, $4  }
0x7f: {  	s0 =	sadd.s32 $0x1, s0;
	s5 =	sadd.s32 $0x10, s5  }
0x80: {  	s10 =	rddreg [dreg:$0x3];
	s31 =	sadd.s32 $0x2, s31;
	s5 =	sor.u32 $0x300, s5  }
0x81: {  	s15 =	sor.u32 s8, s30;
	s8 =	sand.u32 $0x60, s1;
	s14 =	sand.u32 $0x380, s1;
	[tilespmem:s5+$0x14800] =	vst v1  }
0x82: {  	s5 =	sadd.s32 s14, s10;
	s14 =	sor.u32 $0x380, s15;
	s10 =	smov.u32 s11;
	v0 =	vld.idx.msk [tilespmem:v0+s26+$0x0], $0xffff  }
0x83: {  	_ =	sdelay $0x3  }
0x84: {  	s10 =	sadd.s32 s8, s5;
	[tilespmem:s14+$0x14800] =	vst v0  }
0x85: {  	v0 =	vld [tilespmem:s10+$0x0];
	_ =	sdelay $0x7  }
0x86: {  	v1 =	vld.idx.msk [tilespmem:v0+s21+$0x0], $0xffff  }
0x87: {  	s10 =	sadd.s32 $0x100, s30  }
0x88: {  	s11 =	sand.u32 $0x1C00, s10  }
0x89: {  	s11 =	sadd.s32 $0x14800, s11  }
0x8a: {  	s15 =	sor.u32 s8, s11  }
0x8b: {  	[tilespmem:s15+$0x0] =	vst v1  }
0x8c: {  	v1 =	vld.idx.msk [tilespmem:v0+s22+$0x0], $0xffff;
	_ =	sdelay $0x4  }
0x8d: {  	[tilespmem:s15+$0x80] =	vst v1  }
0x8e: {  	v1 =	vld.idx.msk [tilespmem:v0+s23+$0x0], $0xffff;
	_ =	sdelay $0x4  }
0x8f: {  	[tilespmem:s15+$0x100] =	vst v1  }
0x90: {  	v1 =	vld.idx.msk [tilespmem:v0+s24+$0x0], $0xffff;
	_ =	sdelay $0x4  }
0x91: {  	[tilespmem:s15+$0x180] =	vst v1  }
0x92: {  	v1 =	vld.idx.msk [tilespmem:v0+s25+$0x0], $0xffff;
	_ =	sdelay $0x4  }
0x93: {  	[tilespmem:s15+$0x200] =	vst v1  }
0x94: {  	v1 =	vld.idx.msk [tilespmem:v0+s28+$0x0], $0xffff;
	_ =	sdelay $0x4  }
0x95: {  	[tilespmem:s15+$0x280] =	vst v1  }
0x96: {  	v1 =	vld.idx.msk [tilespmem:v0+s29+$0x0], $0xffff  }
0x97: {  	s0 =	sand.u32 $0x3, s0  }
0x98: {  	s0 =	sshll.u32 s0, $0x5  }
0x99: {  	s0 =	sadd.s32 s0, s10  }
0x9a: {  	s0 =	sor.u32 $0x300, s0  }
0x9b: {  	[tilespmem:s0+$0x14800] =	vst v1  }
0x9c: {  	v0 =	vld.idx.msk [tilespmem:v0+s26+$0x0], $0xffff;
	_ =	sdelay $0x2  }
0x9d: {  	s14 =	sor.u32 s1, s10;
	s1 =	sadd.s32 $0x10, s1  }
0x9e: {  	s15 =	sand.u32 $0x70, s1;
	s0 =	sor.u32 $0x380, s14  }
0x9f: {  	s5 =	sadd.s32 s15, s5;
	[tilespmem:s0+$0x14800] =	vst v0  }
0xa0: {  	v0 =	vld [tilespmem:s5+$0x0];
	_ =	sdelay $0x7  }
0xa1: {  	v1 =	vld.idx.msk [tilespmem:v0+s21+$0x0], $0xffff;
	_ =	sdelay $0x3  }
0xa2: {  	s14 =	sor.u32 s15, s11  }
0xa3: {  	[tilespmem:s14+$0x0] =	vst v1  }
0xa4: {  	v1 =	vld.idx.msk [tilespmem:v0+s22+$0x0], $0xffff;
	_ =	sdelay $0x4  }
0xa5: {  	[tilespmem:s14+$0x80] =	vst v1  }
0xa6: {  	v1 =	vld.idx.msk [tilespmem:v0+s23+$0x0], $0xffff;
	_ =	sdelay $0x4  }
0xa7: {  	[tilespmem:s14+$0x100] =	vst v1  }
0xa8: {  	v1 =	vld.idx.msk [tilespmem:v0+s24+$0x0], $0xffff;
	_ =	sdelay $0x4  }
0xa9: {  	[tilespmem:s14+$0x180] =	vst v1  }
0xaa: {  	v1 =	vld.idx.msk [tilespmem:v0+s25+$0x0], $0xffff;
	_ =	sdelay $0x4  }
0xab: {  	[tilespmem:s14+$0x200] =	vst v1  }
0xac: {  	v1 =	vld.idx.msk [tilespmem:v0+s28+$0x0], $0xffff;
	_ =	sdelay $0x4  }
0xad: {  	[tilespmem:s14+$0x280] =	vst v1  }
0xae: {  	s15 =	sand.u32 $0x7, s31;
	s21 =	sor.u32 $0x1, s20;
	v1 =	vld.idx.msk [tilespmem:v0+s29+$0x0], $0xffff  }
0xaf: {  	s0 =	sshll.u32 s15, $0x4;
	(drf) =	sdivrem.u32 s21, s6  }
0xb0: {  	s0 =	sadd.s32 s10, s0  }
0xb1: {  	s0 =	sadd.s32 $0x10, s0  }
0xb2: {  	s0 =	sor.u32 $0x300, s0  }
0xb3: {  	[tilespmem:s0+$0x14800] =	vst v1  }
0xb4: {  	v0 =	vld.idx.msk [tilespmem:v0+s26+$0x0], $0xffff  }
0xb5: {  	s22 =	smul.u32 $0xFA000, s18  }
0xb6: {  	s1 =	sor.u32 s1, s10;
	s23 =	sadd.s32 s2, s19  }
0xb7: {  	s1 =	sor.u32 $0x380, s1;
	s5 =	sshll.u32 s23, $0xA;
	s0 =	sshrl.u32 s22, $0x3  }
0xb8: {  	s18 =	spop (drf);
	s5 =	sand.u32 $0x1FFFFC00, s5;
	s0 =	sadd.s32 s3, s0  }
0xb9: {  	s24 =	sshll.u32 s18, $0xC;
	s0 =	sadd.s32 s5, s0;
	[tilespmem:s1+$0x14800] =	vst v0  }
0xba: {  	[hbm4b:s0+s4] =	stream.linear.scatter [tilespmem:s12], [sflag:$0x1], $0x2000, $0x38;
	[tilespmem:$0x18800] =	vst v63  }
0xbb: {  	s0 =	sshra.s32 s24, $0x2  }
0xbc: {  	s19 =	spop (drf);
	s1 =	simm.s32 @!p0 $0x2;
	s0 =	sadd.s32 $0x8000, s0  }
0xbd: {  	s29 =	simm.s32 $0x0;
	_ =	swait.ge @!p0 [sflag:s1], $0x2000;
	[dreg:$0x4] =	wrdreg s0  }
0xbe: {  	s25 =	sand.u32 $0x380, s29;
	s0 =	rddreg [dreg:$0x4]  }
0xbf: {  	s26 =	sand.u32 $0x60, s29;
	[sflag:s1] =	ssyncset.done @!p0 $0x0;
	s0 =	sadd.s32 s25, s0  }
0xc0: {  	[sflag:s1] =	ssyncadd.s32 @!p0 $0xFFFFE000;
	s31 =	sadd.s32 s26, s0  }
0xc1: {  	v0 =	vld [tilespmem:s31+$0x0];
	_ =	sdelay $0x5  }
0xc2: {  	s5 =	sshll.u32 s19, $0xD  }
0xc3: {  	s20 =	sand.u32 $0x3FFFE000, s5  }
0xc4: {  	v1 =	vld.idx.msk [tilespmem:v0+s20+$0x0], $0xffff;
	_ =	sdelay $0x1  }
0xc5: {  	s10 =	sand.u32 $0x1C00, s29  }
0xc6: {  	s1 =	sadd.s32 $0x16800, s10  }
0xc7: {  	s11 =	sor.u32 s26, s1  }
0xc8: {  	s21 =	sor.u32 $0x400, s20;
	[tilespmem:s11+$0x0] =	vst v1  }
0xc9: {  	v1 =	vld.idx.msk [tilespmem:v0+s21+$0x0], $0xffff;
	_ =	sdelay $0x4  }
0xca: {  	s22 =	sor.u32 $0x800, s20;
	[tilespmem:s11+$0x80] =	vst v1  }
0xcb: {  	v1 =	vld.idx.msk [tilespmem:v0+s22+$0x0], $0xffff;
	_ =	sdelay $0x4  }
0xcc: {  	s23 =	sor.u32 $0xC00, s20;
	[tilespmem:s11+$0x100] =	vst v1  }
0xcd: {  	v1 =	vld.idx.msk [tilespmem:v0+s23+$0x0], $0xffff;
	_ =	sdelay $0x4  }
0xce: {  	s24 =	sor.u32 $0x1000, s20;
	[tilespmem:s11+$0x180] =	vst v1  }
0xcf: {  	v1 =	vld.idx.msk [tilespmem:v0+s24+$0x0], $0xffff;
	_ =	sdelay $0x4  }
0xd0: {  	s25 =	sor.u32 $0x1400, s20;
	[tilespmem:s11+$0x200] =	vst v1  }
0xd1: {  	v1 =	vld.idx.msk [tilespmem:v0+s25+$0x0], $0xffff;
	_ =	sdelay $0x4  }
0xd2: {  	s26 =	sor.u32 $0x1800, s20;
	[tilespmem:s11+$0x280] =	vst v1  }
0xd3: {  	v1 =	vld.idx.msk [tilespmem:v0+s26+$0x0], $0xffff  }
0xd4: {  	s14 =	sand.u32 $0x3, s29  }
0xd5: {  	s5 =	sshll.u32 s14, $0x5  }
0xd6: {  	s5 =	sadd.s32 $0x0, s5  }
0xd7: {  	s5 =	sor.u32 $0x300, s5  }
0xd8: {  	s28 =	sor.u32 $0x1C00, s20;
	[tilespmem:s5+$0x16800] =	vst v1  }
0xd9: {  	v0 =	vld.idx.msk [tilespmem:v0+s28+$0x0], $0xffff;
	_ =	sdelay $0x2  }
0xda: {  	s8 =	simm.s32 $0x10;
	s15 =	sor.u32 s29, s29  }
0xdb: {  	s31 =	sand.u32 $0x70, s8;
	s5 =	sor.u32 $0x380, s15  }
0xdc: {  	s0 =	sadd.s32 s31, s0;
	[tilespmem:s5+$0x16800] =	vst v0  }
0xdd: {  	v0 =	vld [tilespmem:s0+$0x0];
	_ =	sdelay $0x7  }
0xde: {  	v1 =	vld.idx.msk [tilespmem:v0+s20+$0x0], $0xffff;
	_ =	sdelay $0x3  }
0xdf: {  	s10 =	sor.u32 s31, s1  }
0xe0: {  	[tilespmem:s10+$0x0] =	vst v1  }
0xe1: {  	v1 =	vld.idx.msk [tilespmem:v0+s21+$0x0], $0xffff;
	_ =	sdelay $0x4  }
0xe2: {  	[tilespmem:s10+$0x80] =	vst v1  }
0xe3: {  	v1 =	vld.idx.msk [tilespmem:v0+s22+$0x0], $0xffff;
	_ =	sdelay $0x4  }
0xe4: {  	[tilespmem:s10+$0x100] =	vst v1  }
0xe5: {  	v1 =	vld.idx.msk [tilespmem:v0+s23+$0x0], $0xffff;
	_ =	sdelay $0x4  }
0xe6: {  	[tilespmem:s10+$0x180] =	vst v1  }
0xe7: {  	v1 =	vld.idx.msk [tilespmem:v0+s24+$0x0], $0xffff;
	_ =	sdelay $0x4  }
0xe8: {  	[tilespmem:s10+$0x200] =	vst v1  }
0xe9: {  	v1 =	vld.idx.msk [tilespmem:v0+s25+$0x0], $0xffff;
	_ =	sdelay $0x4  }
0xea: {  	[tilespmem:s10+$0x280] =	vst v1  }
0xeb: {  	s11 =	sand.u32 $0x7, s29;
	v1 =	vld.idx.msk [tilespmem:v0+s26+$0x0], $0xffff  }
0xec: {  	s0 =	sshll.u32 s11, $0x4  }
0xed: {  	s0 =	sadd.s32 $0x0, s0  }
0xee: {  	s30 =	simm.s32 $0x2;
	s1 =	simm.s32 $0x20;
	s0 =	sadd.s32 $0x10, s0  }
0xef: {  	s15 =	sand.u32 $0x380, s1;
	s5 =	rddreg [dreg:$0x4];
	s14 =	sor.u32 $0x300, s0  }
0xf0: {  	s31 =	sor.u32 s8, s29;
	s8 =	sand.u32 $0x60, s1;
	s5 =	sadd.s32 s15, s5;
	[tilespmem:s14+$0x16800] =	vst v1  }
0xf1: {  	s0 =	simm.s32 $0x1;
	s10 =	simm.s32 $0x40;
	s14 =	sor.u32 $0x380, s31;
	v0 =	vld.idx.msk [tilespmem:v0+s28+$0x0], $0xffff  }
.LBB2_5:
0xf2: {  	_ =	sdelay $0x3  }
0xf3: {  	s15 =	sadd.s32 s8, s5;
	[tilespmem:s14+$0x16800] =	vst v0  }
0xf4: {  	v0 =	vld [tilespmem:s15+$0x0];
	_ =	sdelay $0x7  }
0xf5: {  	v1 =	vld.idx.msk [tilespmem:v0+s20+$0x0], $0xffff  }
0xf6: {  	s29 =	sadd.s32 $0x100, s29  }
0xf7: {  	s11 =	sadd.s32 $0x20, s10;
	s15 =	sand.u32 $0x1C00, s29  }
0xf8: {  	p0 =	sne.s32 s10, $0x3E0;
	s14 =	smov.u32 s10;
	s10 =	sadd.s32 $0x16800, s15  }
0xf9: {  	s31 =	sor.u32 s8, s10  }
0xfa: {  	[tilespmem:s31+$0x0] =	vst v1  }
0xfb: {  	v1 =	vld.idx.msk [tilespmem:v0+s21+$0x0], $0xffff;
	_ =	sdelay $0x4  }
0xfc: {  	[tilespmem:s31+$0x80] =	vst v1  }
0xfd: {  	v1 =	vld.idx.msk [tilespmem:v0+s22+$0x0], $0xffff;
	_ =	sdelay $0x4  }
0xfe: {  	[tilespmem:s31+$0x100] =	vst v1  }
0xff: {  	v1 =	vld.idx.msk [tilespmem:v0+s23+$0x0], $0xffff;
	_ =	sdelay $0x4  }
0x100: {  	[tilespmem:s31+$0x180] =	vst v1  }
0x101: {  	v1 =	vld.idx.msk [tilespmem:v0+s24+$0x0], $0xffff;
	_ =	sdelay $0x4  }
0x102: {  	[tilespmem:s31+$0x200] =	vst v1  }
0x103: {  	v1 =	vld.idx.msk [tilespmem:v0+s25+$0x0], $0xffff;
	_ =	sdelay $0x4  }
0x104: {  	[tilespmem:s31+$0x280] =	vst v1  }
0x105: {  	v1 =	vld.idx.msk [tilespmem:v0+s26+$0x0], $0xffff  }
0x106: {  	s15 =	sand.u32 $0x3, s0  }
0x107: {  	s8 =	sshll.u32 s15, $0x5  }
0x108: {  	s8 =	sadd.s32 s8, s29  }
0x109: {  	s8 =	sor.u32 $0x300, s8  }
0x10a: {  	[tilespmem:s8+$0x16800] =	vst v1  }
0x10b: {  	v0 =	vld.idx.msk [tilespmem:v0+s28+$0x0], $0xffff;
	_ =	sdelay $0x2  }
0x10c: {  	s31 =	sor.u32 s1, s29;
	s8 =	sadd.s32 $0x10, s1  }
0x10d: {  	s15 =	sor.u32 $0x380, s31;
	s31 =	sand.u32 $0x70, s8  }
0x10e: {  	s1 =	smov.u32 s14;
	s14 =	sadd.s32 s31, s5;
	[tilespmem:s15+$0x16800] =	vst v0  }
0x10f: {  	v0 =	vld [tilespmem:s14+$0x0];
	_ =	sdelay $0x7  }
0x110: {  	v1 =	vld.idx.msk [tilespmem:v0+s20+$0x0], $0xffff;
	_ =	sdelay $0x3  }
0x111: {  	s31 =	sor.u32 s31, s10  }
0x112: {  	[tilespmem:s31+$0x0] =	vst v1  }
0x113: {  	v1 =	vld.idx.msk [tilespmem:v0+s21+$0x0], $0xffff;
	_ =	sdelay $0x4  }
0x114: {  	[tilespmem:s31+$0x80] =	vst v1  }
0x115: {  	v1 =	vld.idx.msk [tilespmem:v0+s22+$0x0], $0xffff;
	_ =	sdelay $0x4  }
0x116: {  	[tilespmem:s31+$0x100] =	vst v1  }
0x117: {  	v1 =	vld.idx.msk [tilespmem:v0+s23+$0x0], $0xffff;
	_ =	sdelay $0x4  }
0x118: {  	[tilespmem:s31+$0x180] =	vst v1  }
0x119: {  	v1 =	vld.idx.msk [tilespmem:v0+s24+$0x0], $0xffff;
	_ =	sdelay $0x4  }
0x11a: {  	[tilespmem:s31+$0x200] =	vst v1  }
0x11b: {  	v1 =	vld.idx.msk [tilespmem:v0+s25+$0x0], $0xffff;
	_ =	sdelay $0x4  }
0x11c: {  	[tilespmem:s31+$0x280] =	vst v1  }
0x11d: {  	s10 =	sand.u32 $0x7, s30;
	v1 =	vld.idx.msk [tilespmem:v0+s26+$0x0], $0xffff  }
0x11e: {  	s5 =	sshll.u32 s10, $0x4  }
.Ltmp1:
0x11f: {  	s5 =	sadd.s32 s29, s5;
	(pc) =	sbr.rel @p0 .LBB2_5-.Ltmp1, $4  }
0x120: {  	s0 =	sadd.s32 $0x1, s0;
	s5 =	sadd.s32 $0x10, s5  }
0x121: {  	s30 =	sadd.s32 $0x2, s30;
	s10 =	smov.u32 s11;
	s5 =	sor.u32 $0x300, s5  }
0x122: {  	s15 =	sand.u32 $0x380, s1;
	s14 =	rddreg [dreg:$0x4];
	s31 =	sor.u32 s8, s29;
	[tilespmem:s5+$0x16800] =	vst v1  }
0x123: {  	s8 =	sand.u32 $0x60, s1;
	s5 =	sadd.s32 s15, s14;
	s14 =	sor.u32 $0x380, s31;
	v0 =	vld.idx.msk [tilespmem:v0+s28+$0x0], $0xffff  }
0x124: {  	_ =	sdelay $0x3  }
0x125: {  	s10 =	sadd.s32 s8, s5;
	[tilespmem:s14+$0x16800] =	vst v0  }
0x126: {  	v0 =	vld [tilespmem:s10+$0x0];
	_ =	sdelay $0x7  }
0x127: {  	v1 =	vld.idx.msk [tilespmem:v0+s20+$0x0], $0xffff  }
0x128: {  	s10 =	sadd.s32 $0x100, s29  }
0x129: {  	s11 =	sand.u32 $0x1C00, s10  }
0x12a: {  	s11 =	sadd.s32 $0x16800, s11  }
0x12b: {  	s31 =	sor.u32 s8, s11  }
0x12c: {  	[tilespmem:s31+$0x0] =	vst v1  }
0x12d: {  	v1 =	vld.idx.msk [tilespmem:v0+s21+$0x0], $0xffff;
	_ =	sdelay $0x4  }
0x12e: {  	[tilespmem:s31+$0x80] =	vst v1  }
0x12f: {  	v1 =	vld.idx.msk [tilespmem:v0+s22+$0x0], $0xffff;
	_ =	sdelay $0x4  }
0x130: {  	[tilespmem:s31+$0x100] =	vst v1  }
0x131: {  	v1 =	vld.idx.msk [tilespmem:v0+s23+$0x0], $0xffff;
	_ =	sdelay $0x4  }
0x132: {  	[tilespmem:s31+$0x180] =	vst v1  }
0x133: {  	v1 =	vld.idx.msk [tilespmem:v0+s24+$0x0], $0xffff;
	_ =	sdelay $0x4  }
0x134: {  	[tilespmem:s31+$0x200] =	vst v1  }
0x135: {  	v1 =	vld.idx.msk [tilespmem:v0+s25+$0x0], $0xffff;
	_ =	sdelay $0x4  }
0x136: {  	[tilespmem:s31+$0x280] =	vst v1  }
0x137: {  	v1 =	vld.idx.msk [tilespmem:v0+s26+$0x0], $0xffff  }
0x138: {  	s0 =	sand.u32 $0x3, s0  }
0x139: {  	s0 =	sshll.u32 s0, $0x5  }
0x13a: {  	s0 =	sadd.s32 s0, s10  }
0x13b: {  	s0 =	sor.u32 $0x300, s0  }
0x13c: {  	[tilespmem:s0+$0x16800] =	vst v1  }
0x13d: {  	v0 =	vld.idx.msk [tilespmem:v0+s28+$0x0], $0xffff;
	_ =	sdelay $0x2  }
0x13e: {  	s8 =	sor.u32 s1, s10;
	s1 =	sadd.s32 $0x10, s1  }
0x13f: {  	s14 =	sand.u32 $0x70, s1;
	s0 =	sor.u32 $0x380, s8  }
0x140: {  	s15 =	sadd.s32 s14, s5;
	[tilespmem:s0+$0x16800] =	vst v0  }
0x141: {  	v0 =	vld [tilespmem:s15+$0x0];
	_ =	sdelay $0x7  }
0x142: {  	v1 =	vld.idx.msk [tilespmem:v0+s20+$0x0], $0xffff;
	_ =	sdelay $0x3  }
0x143: {  	s20 =	sor.u32 s14, s11  }
0x144: {  	[tilespmem:s20+$0x0] =	vst v1  }
0x145: {  	v1 =	vld.idx.msk [tilespmem:v0+s21+$0x0], $0xffff;
	_ =	sdelay $0x4  }
0x146: {  	[tilespmem:s20+$0x80] =	vst v1  }
0x147: {  	v1 =	vld.idx.msk [tilespmem:v0+s22+$0x0], $0xffff;
	_ =	sdelay $0x4  }
0x148: {  	[tilespmem:s20+$0x100] =	vst v1  }
0x149: {  	v1 =	vld.idx.msk [tilespmem:v0+s23+$0x0], $0xffff;
	_ =	sdelay $0x4  }
0x14a: {  	[tilespmem:s20+$0x180] =	vst v1  }
0x14b: {  	v1 =	vld.idx.msk [tilespmem:v0+s24+$0x0], $0xffff;
	_ =	sdelay $0x4  }
0x14c: {  	[tilespmem:s20+$0x200] =	vst v1  }
0x14d: {  	v1 =	vld.idx.msk [tilespmem:v0+s25+$0x0], $0xffff;
	_ =	sdelay $0x4  }
0x14e: {  	[tilespmem:s20+$0x280] =	vst v1  }
0x14f: {  	s29 =	sand.u32 $0x7, s30;
	v1 =	vld.idx.msk [tilespmem:v0+s26+$0x0], $0xffff  }
0x150: {  	s0 =	sshll.u32 s29, $0x4  }
0x151: {  	s0 =	sadd.s32 s10, s0  }
0x152: {  	s0 =	sadd.s32 $0x10, s0  }
0x153: {  	s0 =	sor.u32 $0x300, s0  }
0x154: {  	[tilespmem:s0+$0x16800] =	vst v1  }
0x155: {  	s17 =	sadd.s32 $0x1, s17;
	v0 =	vld.idx.msk [tilespmem:v0+s28+$0x0], $0xffff  }
0x156: {  	p0 =	sne.s32 s17, s9;
	s30 =	smul.u32 $0xFA000, s18  }
.Ltmp2:
0x157: {  	s31 =	sadd.s32 s2, s19;
	(pc) =	sbr.rel @p0 .LBB2_2-.Ltmp2, $4  }
0x158: {  	s1 =	sor.u32 s1, s10;
	s5 =	sshll.u32 s31, $0xA;
	s0 =	sshrl.u32 s30, $0x3  }
0x159: {  	s1 =	sor.u32 $0x380, s1;
	s5 =	sand.u32 $0x1FFFFC00, s5;
	s0 =	sadd.s32 s3, s0  }
0x15a: {  	s0 =	sadd.s32 s5, s0;
	[tilespmem:s1+$0x16800] =	vst v0  }
0x15b: {  	[hbm4b:s0+s4] =	stream.linear.scatter [tilespmem:s13], [sflag:$0x2], $0x2000, $0x38;
	[tilespmem:$0x18800] =	vst v63  }
0x15c: {  	s0 =	simm.s32 $0x1  }
0x15d: {  	_ =	swait.ge [sflag:s0], $0x2000  }
0x15e: {  	[sflag:s0] =	ssyncset.done $0x0  }
0x15f: {  	s1 =	simm.s32 $0x2;
	[sflag:s0] =	ssyncadd.s32 $0xFFFFE000  }
0x160: {  	_ =	swait.ge [sflag:s1], $0x2000  }
0x161: {  	s16 =	sadd.s32 $0x1, s16;
	s31 =	rddreg [dreg:$0x7]  }
0x162: {  	p0 =	sne.s32 s16, s31  }
.Ltmp3:
0x163: {  	_ = 	snop;
	(pc) =	sbr.rel @p0 .LBB2_1-.Ltmp3, $3  }
0x164: {  	_ =	sdelay $0x1  }
0x165: {  	[sflag:s1] =	ssyncset.done $0x0  }
0x166: {  	[sflag:s1] =	ssyncadd.s32 $0xFFFFE000  }
0x167: {  	_ =	sfence.sel $0x180000  }
0x168: {  	[bflag:$0x0] =	sbarrier.arrive $0xFFFF  }
0x169: {  	_ =	strace $0x90000047  }
0x16a: {  	s0 =	stileid.u32;
	[bflag:$0x2] =	sbarrier.arrive $0xFFFF  }
0x16b: {  	p0 =	sne.s32 s0, $0x0;
	s0 =	rddreg [dreg:$0x2]  }
0x16c: {  	s0 =	sadd.s32 @!p0 $0x100000, s0  }
0x16d: {  	[sflag:s0] =	ssyncadd.tile.s32 @!p0 $0x1;
	_ =	shalt  }
.Lfunc_end2:
_tile_overlayer_lowered:
.L_overlay_start_2:
0x16e: {  	(tag) =	ssettag $0x2  }
0x16f: {  	s0 =	rddreg [dreg:$0x0];
	s2 =	stileid.u32  }
0x170: {  	s1 =	rddreg [dreg:$0x1];
	p0 =	sne.s32 s2, $0x0  }
0x171: {  	s3 =	rddreg [dreg:$0x2];
	[bflag:$0x3] =	sbarrier.arrive $0xFFFF;
	s2 =	simm.s32 @!p0 $0x1C03  }
0x172: {  	[timem:s3], [sflag:s2] =	dma.local @!p0 [hbm:s0], s1  }
0x173: {  	s0 =	simm.s32 @!p0 $0x3  }
0x174: {  	_ =	swait.ge @!p0 [sflag:s0], s1  }
0x175: {  	s1 =	ssub.s32 @!p0 $0x0, s1;
	[sflag:s0] =	ssyncset.done @!p0 $0x0  }
0x176: {  	[sflag:s0] =	ssyncadd.s32 @!p0 s1  }
0x177: {  	[bflag:$0x3] =	sbarrier.arrive $0xFFFF  }
0x178: {  	_ =	shalt  }

</sc_bundles>
